<compile_context>
chip_gen: v7x
topology: tpu7x:2x2x1
jax: 0.10.2.dev20260603
libtpu: 0.0.44.dev20260713+nightly
codegen_flags: <defaults>
</compile_context>

<pallas_src>
import functools

import jax
import jax.numpy as jnp
from jax import lax
from jax.experimental import pallas as pl
from jax.experimental.pallas import tpu as pltpu
from jax.experimental.pallas import tpu_sc as plsc

B = 4096
C = 64
H = 16
W = 16
ROW = C * H * W
NF2 = 50000


def _make_fused(rows, nbuf=2):
    info = plsc.get_sparse_core_info()
    nc, ns = info.num_cores, info.num_subcores
    nw = nc * ns
    assert rows % (8 * nw) == 0
    b_per_w = rows // nw
    outer_n = b_per_w // nbuf
    mesh = plsc.VectorSubcoreMesh(core_axis_name="c", subcore_axis_name="s")

    @functools.partial(
        pl.kernel,
        mesh=mesh,
        out_type=jax.ShapeDtypeStruct((rows, ROW), jnp.float32),
        scratch_types=(
            [
                pltpu.VMEM((b_per_w,), jnp.int32),
                pltpu.VMEM((b_per_w,), jnp.int32),
                pltpu.VMEM((b_per_w, 128), jnp.float32),
            ]
            + [pltpu.VMEM((ROW,), jnp.float32) for _ in range(2 * nbuf)]
            + [pltpu.SemaphoreType.DMA for _ in range(2 * nbuf + 1)]
        ),
        compiler_params=pltpu.CompilerParams(needs_layout_passes=False),
    )
    def fused_k(idx_hbm, table_hbm, x_hbm, out_hbm, idx_v, half_v, rows_v, *rest):
        xin = rest[0:nbuf]
        xout = rest[nbuf : 2 * nbuf]
        isem = rest[2 * nbuf : 3 * nbuf]
        osem = rest[3 * nbuf : 4 * nbuf]
        gsem = rest[4 * nbuf]

        wid = lax.axis_index("s") * nc + lax.axis_index("c")
        base = wid * b_per_w

        pltpu.sync_copy(idx_hbm.at[pl.ds(base, b_per_w)], idx_v)
        for i in range(b_per_w // 16):
            half_v[pl.ds(i * 16, 16)] = lax.shift_right_logical(
                idx_v[pl.ds(i * 16, 16)], 1
            )
        pltpu.async_copy(table_hbm.at[half_v], rows_v, gsem).wait()

        for b in range(nbuf):
            pltpu.make_async_copy(x_hbm.at[base + b], xin[b], isem[b]).start()

        def row_compute(xin_b, xout_b, r):
            rv = jnp.full((16,), r, jnp.int32)
            yv = plsc.load_gather(idx_v, [rv])
            colbase = (yv & 1) * C

            @plsc.parallel_loop(0, C, 1, unroll=4)
            def _cc(cc):
                sev = plsc.load_gather(rows_v, [rv, colbase + cc])
                off = cc * (H * W)
                for h in range(H):
                    sl = pl.ds(off + h * W, W)
                    xout_b[sl] = xin_b[sl] - sev

        def outer(o, carry):
            for b in range(nbuf):
                r = o * nbuf + b
                row = base + r
                pltpu.make_async_copy(x_hbm.at[row], xin[b], isem[b]).wait()

                @pl.when(o > 0)
                def _wait_out():
                    pltpu.make_async_copy(
                        xout[b], out_hbm.at[row], osem[b]
                    ).wait()

                row_compute(xin[b], xout[b], r)

                pltpu.make_async_copy(xout[b], out_hbm.at[row], osem[b]).start()

                @pl.when(o < outer_n - 1)
                def _next_in():
                    pltpu.make_async_copy(
                        x_hbm.at[row + nbuf], xin[b], isem[b]
                    ).start()

            return carry

        lax.fori_loop(0, outer_n, outer, 0)

        for b in range(nbuf):
            pltpu.make_async_copy(
                xout[b], out_hbm.at[base + b], osem[b]
            ).wait()

    return fused_k


def kernel(x, y, log_det_jac, z, factors):
    y32 = y.astype(jnp.int32)
    table2 = factors.reshape(NF2, 128)
    x2 = x.reshape(B, ROW)
    out2 = _make_fused(B)(y32, table2, x2)
    return (out2.reshape(x.shape), log_det_jac, z)

# --- scband reference (transcript-rebuilt; emitter-appended) ---
"""Pipeline reference for scband-conditional-shift-81827716923769 (READ-ONLY COPY).

The authoritative reference and input builder live on the scoring server;
editing this copy changes nothing except your own understanding.
"""

import jax, jax.numpy as jnp
import numpy as np

B = 4096
C = 64
H = 16
W = 16
NFACTORS = 100000


def setup_inputs(seed: int = 0) -> dict:
    key = jax.random.key(seed)
    k_x, k_y, k_z, k_w = jax.random.split(key, 4)
    x = jax.random.normal(k_x, (B, C, H, W), dtype=jnp.float32)
    y = jax.random.randint(k_y, (B,), 0, NFACTORS, dtype=jnp.int64)
    log_det_jac = jnp.zeros((B,), dtype=jnp.float32)
    z = jax.random.normal(k_z, (B, C), dtype=jnp.float32)
    # learned embedding table (nn.Embedding(nfactors, channels))
    factors = jax.random.normal(k_w, (NFACTORS, C), dtype=jnp.float32)
    return {"x": x, "y": y, "log_det_jac": log_det_jac, "z": z, "factors": factors}


def reference(x, y, log_det_jac, z, factors):
    # shift = self.factors(y)  -> embedding gather
    shift = jnp.take(factors, y, axis=0)  # [B, C]
    # x - shift.view(B, -1, 1, 1)
    out_x = x - shift.reshape(x.shape[0], -1, 1, 1)
    return (out_x, log_det_jac, z)

if __name__ == "__main__":
    import jax
    _d = setup_inputs()
    print(jax.jit(kernel)(*tuple(_d.values())))

</pallas_src>

<mosaic_0001>
#map = affine_map<(d0, d1) -> (0)>
#map1 = affine_map<(d0, d1) -> (0, 0)>
module attributes {stable_mosaic.version = 14 : i64} {
  func.func @fused_k(%arg0: i32, %arg1: i32, %arg2: memref<4096xi32, #tpu.memory_space<hbm>>, %arg3: memref<50000x128xf32, #tpu.memory_space<hbm>>, %arg4: memref<4096x16384xf32, #tpu.memory_space<hbm>>, %arg5: memref<4096x16384xf32, #tpu.memory_space<hbm>>, %arg6: memref<128xi32, #tpu.memory_space<vmem>>, %arg7: memref<128xi32, #tpu.memory_space<vmem>>, %arg8: memref<128x128xf32, #tpu.memory_space<vmem>>, %arg9: memref<16384xf32, #tpu.memory_space<vmem>>, %arg10: memref<16384xf32, #tpu.memory_space<vmem>>, %arg11: memref<16384xf32, #tpu.memory_space<vmem>>, %arg12: memref<16384xf32, #tpu.memory_space<vmem>>, %arg13: memref<!tpu.dma_semaphore, #tpu.memory_space<semaphore_mem>>, %arg14: memref<!tpu.dma_semaphore, #tpu.memory_space<semaphore_mem>>, %arg15: memref<!tpu.dma_semaphore, #tpu.memory_space<semaphore_mem>>, %arg16: memref<!tpu.dma_semaphore, #tpu.memory_space<semaphore_mem>>, %arg17: memref<!tpu.dma_semaphore, #tpu.memory_space<semaphore_mem>>) attributes {dimension_semantics = [#tpu.dimension_semantics<core_parallel>, #tpu.dimension_semantics<subcore_parallel>], iteration_bounds = array<i64: 2, 16>, scalar_prefetch = 0 : i64, scratch_operands = 12 : i64, tpu.core_type = #tpu.core_type<sc_vector_subcore>, window_params = [{transform_indices = #map}, {transform_indices = #map1}, {transform_indices = #map1}, {transform_indices = #map1}]} {
    %mul3A = arith.constant 2 : i32
    %mul3A_0 = arith.muli %arg1, %mul3A : i32
    %add3A = arith.addi %mul3A_0, %arg0 : i32
    %mul3A_1 = arith.constant 128 : i32
    %mul3A_2 = arith.muli %add3A, %mul3A_1 : i32
    "tpu.region"() ({
      %run_scoped3A = tpu.sem_alloc : memref<!tpu.dma_semaphore, #tpu.memory_space<semaphore_mem>>
      %dma_start3A_97 = tpu.memref_slice %arg2[%mul3A_2] : memref<4096xi32, #tpu.memory_space<hbm>> -> memref<128xi32, #tpu.memory_space<hbm>>
      %dma_start3A_98 = tpu.memref_slice %arg2[%mul3A_2] : memref<4096xi32, #tpu.memory_space<hbm>> -> memref<128xi32, #tpu.memory_space<hbm>>
      tpu.enqueue_dma source(%dma_start3A_98 : memref<128xi32, #tpu.memory_space<hbm>>) target(%arg6 : memref<128xi32, #tpu.memory_space<vmem>>) target_semaphore(%run_scoped3A : memref<!tpu.dma_semaphore, #tpu.memory_space<semaphore_mem>>)
      %dma_wait3A_99 = tpu.memref_slice %arg2[%mul3A_2] : memref<4096xi32, #tpu.memory_space<hbm>> -> memref<128xi32, #tpu.memory_space<hbm>>
      %dma_wait3A_100 = tpu.memref_slice %arg2[%mul3A_2] : memref<4096xi32, #tpu.memory_space<hbm>> -> memref<128xi32, #tpu.memory_space<hbm>>
      tpu.wait_dma2 semaphore(%run_scoped3A : memref<!tpu.dma_semaphore, #tpu.memory_space<semaphore_mem>>) src(%dma_wait3A_100 : memref<128xi32, #tpu.memory_space<hbm>>) dst(%arg6 : memref<128xi32, #tpu.memory_space<vmem>>)
      tpu.yield
    }) : () -> ()
    %get3A = arith.constant 0 : index
    %get3A_3 = tpu.vector_load %arg6[%get3A] {strides = array<i32>} : memref<128xi32, #tpu.memory_space<vmem>>, vector<16xi32>,
    %shift_right_logical3A = arith.constant 1 : i32
    %shift_right_logical3A_4 = vector.broadcast %shift_right_logical3A : i32 to vector<16xi32>
    %shift_right_logical3A_5 = arith.shrui %get3A_3, %shift_right_logical3A_4 : vector<16xi32>
    %swap3A = arith.constant 0 : index
    %swap3A_6 = tpu.vector_load %arg7[%swap3A] {strides = array<i32>} : memref<128xi32, #tpu.memory_space<vmem>>, vector<16xi32>,
    tpu.vector_store %arg7[%swap3A], %shift_right_logical3A_5 {strides = array<i32>} : memref<128xi32, #tpu.memory_space<vmem>>, vector<16xi32>,
    %get3A_7 = arith.constant 16 : index
    %get3A_8 = tpu.vector_load %arg6[%get3A_7] {strides = array<i32>} : memref<128xi32, #tpu.memory_space<vmem>>, vector<16xi32>,
    %shift_right_logical3A_9 = arith.constant 1 : i32
    %shift_right_logical3A_10 = vector.broadcast %shift_right_logical3A_9 : i32 to vector<16xi32>
    %shift_right_logical3A_11 = arith.shrui %get3A_8, %shift_right_logical3A_10 : vector<16xi32>
    %swap3A_12 = arith.constant 16 : index
    %swap3A_13 = tpu.vector_load %arg7[%swap3A_12] {strides = array<i32>} : memref<128xi32, #tpu.memory_space<vmem>>, vector<16xi32>,
    tpu.vector_store %arg7[%swap3A_12], %shift_right_logical3A_11 {strides = array<i32>} : memref<128xi32, #tpu.memory_space<vmem>>, vector<16xi32>,
    %get3A_14 = arith.constant 32 : index
    %get3A_15 = tpu.vector_load %arg6[%get3A_14] {strides = array<i32>} : memref<128xi32, #tpu.memory_space<vmem>>, vector<16xi32>,
    %shift_right_logical3A_16 = arith.constant 1 : i32
    %shift_right_logical3A_17 = vector.broadcast %shift_right_logical3A_16 : i32 to vector<16xi32>
    %shift_right_logical3A_18 = arith.shrui %get3A_15, %shift_right_logical3A_17 : vector<16xi32>
    %swap3A_19 = arith.constant 32 : index
    %swap3A_20 = tpu.vector_load %arg7[%swap3A_19] {strides = array<i32>} : memref<128xi32, #tpu.memory_space<vmem>>, vector<16xi32>,
    tpu.vector_store %arg7[%swap3A_19], %shift_right_logical3A_18 {strides = array<i32>} : memref<128xi32, #tpu.memory_space<vmem>>, vector<16xi32>,
    %get3A_21 = arith.constant 48 : index
    %get3A_22 = tpu.vector_load %arg6[%get3A_21] {strides = array<i32>} : memref<128xi32, #tpu.memory_space<vmem>>, vector<16xi32>,
    %shift_right_logical3A_23 = arith.constant 1 : i32
    %shift_right_logical3A_24 = vector.broadcast %shift_right_logical3A_23 : i32 to vector<16xi32>
    %shift_right_logical3A_25 = arith.shrui %get3A_22, %shift_right_logical3A_24 : vector<16xi32>
    %swap3A_26 = arith.constant 48 : index
    %swap3A_27 = tpu.vector_load %arg7[%swap3A_26] {strides = array<i32>} : memref<128xi32, #tpu.memory_space<vmem>>, vector<16xi32>,
    tpu.vector_store %arg7[%swap3A_26], %shift_right_logical3A_25 {strides = array<i32>} : memref<128xi32, #tpu.memory_space<vmem>>, vector<16xi32>,
    %get3A_28 = arith.constant 64 : index
    %get3A_29 = tpu.vector_load %arg6[%get3A_28] {strides = array<i32>} : memref<128xi32, #tpu.memory_space<vmem>>, vector<16xi32>,
    %shift_right_logical3A_30 = arith.constant 1 : i32
    %shift_right_logical3A_31 = vector.broadcast %shift_right_logical3A_30 : i32 to vector<16xi32>
    %shift_right_logical3A_32 = arith.shrui %get3A_29, %shift_right_logical3A_31 : vector<16xi32>
    %swap3A_33 = arith.constant 64 : index
    %swap3A_34 = tpu.vector_load %arg7[%swap3A_33] {strides = array<i32>} : memref<128xi32, #tpu.memory_space<vmem>>, vector<16xi32>,
    tpu.vector_store %arg7[%swap3A_33], %shift_right_logical3A_32 {strides = array<i32>} : memref<128xi32, #tpu.memory_space<vmem>>, vector<16xi32>,
    %get3A_35 = arith.constant 80 : index
    %get3A_36 = tpu.vector_load %arg6[%get3A_35] {strides = array<i32>} : memref<128xi32, #tpu.memory_space<vmem>>, vector<16xi32>,
    %shift_right_logical3A_37 = arith.constant 1 : i32
    %shift_right_logical3A_38 = vector.broadcast %shift_right_logical3A_37 : i32 to vector<16xi32>
    %shift_right_logical3A_39 = arith.shrui %get3A_36, %shift_right_logical3A_38 : vector<16xi32>
    %swap3A_40 = arith.constant 80 : index
    %swap3A_41 = tpu.vector_load %arg7[%swap3A_40] {strides = array<i32>} : memref<128xi32, #tpu.memory_space<vmem>>, vector<16xi32>,
    tpu.vector_store %arg7[%swap3A_40], %shift_right_logical3A_39 {strides = array<i32>} : memref<128xi32, #tpu.memory_space<vmem>>, vector<16xi32>,
    %get3A_42 = arith.constant 96 : index
    %get3A_43 = tpu.vector_load %arg6[%get3A_42] {strides = array<i32>} : memref<128xi32, #tpu.memory_space<vmem>>, vector<16xi32>,
    %shift_right_logical3A_44 = arith.constant 1 : i32
    %shift_right_logical3A_45 = vector.broadcast %shift_right_logical3A_44 : i32 to vector<16xi32>
    %shift_right_logical3A_46 = arith.shrui %get3A_43, %shift_right_logical3A_45 : vector<16xi32>
    %swap3A_47 = arith.constant 96 : index
    %swap3A_48 = tpu.vector_load %arg7[%swap3A_47] {strides = array<i32>} : memref<128xi32, #tpu.memory_space<vmem>>, vector<16xi32>,
    tpu.vector_store %arg7[%swap3A_47], %shift_right_logical3A_46 {strides = array<i32>} : memref<128xi32, #tpu.memory_space<vmem>>, vector<16xi32>,
    %get3A_49 = arith.constant 112 : index
    %get3A_50 = tpu.vector_load %arg6[%get3A_49] {strides = array<i32>} : memref<128xi32, #tpu.memory_space<vmem>>, vector<16xi32>,
    %shift_right_logical3A_51 = arith.constant 1 : i32
    %shift_right_logical3A_52 = vector.broadcast %shift_right_logical3A_51 : i32 to vector<16xi32>
    %shift_right_logical3A_53 = arith.shrui %get3A_50, %shift_right_logical3A_52 : vector<16xi32>
    %swap3A_54 = arith.constant 112 : index
    %swap3A_55 = tpu.vector_load %arg7[%swap3A_54] {strides = array<i32>} : memref<128xi32, #tpu.memory_space<vmem>>, vector<16xi32>,
    tpu.vector_store %arg7[%swap3A_54], %shift_right_logical3A_53 {strides = array<i32>} : memref<128xi32, #tpu.memory_space<vmem>>, vector<16xi32>,
    %dma_start3A = arith.constant 0 : i32
    %dma_start3A_56 = arith.constant 0 : i32
    %dma_start3A_57 = tpu.memref_slice %arg3[%dma_start3A, %dma_start3A_56] : memref<50000x128xf32, #tpu.memory_space<hbm>> -> memref<50000x128xf32, #tpu.memory_space<hbm>>
    tpu.enqueue_indirect_dma source(%dma_start3A_57 : memref<50000x128xf32, #tpu.memory_space<hbm>>) target(%arg8 : memref<128x128xf32, #tpu.memory_space<vmem>>) offsets(%arg7 : memref<128xi32, #tpu.memory_space<vmem>>) semaphore(%arg17 : memref<!tpu.dma_semaphore, #tpu.memory_space<semaphore_mem>>)
    %dma_wait3A = arith.constant 0 : i32
    %dma_wait3A_58 = arith.constant 0 : i32
    %dma_wait3A_59 = tpu.memref_slice %arg3[%dma_wait3A, %dma_wait3A_58] : memref<50000x128xf32, #tpu.memory_space<hbm>> -> memref<50000x128xf32, #tpu.memory_space<hbm>>
    tpu.wait_indirect_dma semaphore(%arg17 : memref<!tpu.dma_semaphore, #tpu.memory_space<semaphore_mem>>) src(%dma_wait3A_59 : memref<50000x128xf32, #tpu.memory_space<hbm>>) dst(%arg8 : memref<128x128xf32, #tpu.memory_space<vmem>>)
    %add3A_60 = arith.constant 0 : i32
    %add3A_61 = arith.addi %mul3A_2, %add3A_60 : i32
    %dma_start3A_62 = arith.constant 0 : i32
    %dma_start3A_63 = tpu.memref_slice %arg4[%add3A_61, %dma_start3A_62] : memref<4096x16384xf32, #tpu.memory_space<hbm>> -> memref<1x16384xf32, #tpu.memory_space<hbm>>
    %dma_start3A_64 = tpu.memref_squeeze %dma_start3A_63 : memref<1x16384xf32, #tpu.memory_space<hbm>> -> memref<16384xf32, #tpu.memory_space<hbm>>
    %dma_start3A_65 = arith.constant 0 : i32
    %dma_start3A_66 = tpu.memref_slice %arg4[%add3A_61, %dma_start3A_65] : memref<4096x16384xf32, #tpu.memory_space<hbm>> -> memref<1x16384xf32, #tpu.memory_space<hbm>>
    %dma_start3A_67 = tpu.memref_squeeze %dma_start3A_66 : memref<1x16384xf32, #tpu.memory_space<hbm>> -> memref<16384xf32, #tpu.memory_space<hbm>>
    tpu.enqueue_dma source(%dma_start3A_67 : memref<16384xf32, #tpu.memory_space<hbm>>) target(%arg9 : memref<16384xf32, #tpu.memory_space<vmem>>) target_semaphore(%arg13 : memref<!tpu.dma_semaphore, #tpu.memory_space<semaphore_mem>>)
    %add3A_68 = arith.constant 1 : i32
    %add3A_69 = arith.addi %mul3A_2, %add3A_68 : i32
    %dma_start3A_70 = arith.constant 0 : i32
    %dma_start3A_71 = tpu.memref_slice %arg4[%add3A_69, %dma_start3A_70] : memref<4096x16384xf32, #tpu.memory_space<hbm>> -> memref<1x16384xf32, #tpu.memory_space<hbm>>
    %dma_start3A_72 = tpu.memref_squeeze %dma_start3A_71 : memref<1x16384xf32, #tpu.memory_space<hbm>> -> memref<16384xf32, #tpu.memory_space<hbm>>
    %dma_start3A_73 = arith.constant 0 : i32
    %dma_start3A_74 = tpu.memref_slice %arg4[%add3A_69, %dma_start3A_73] : memref<4096x16384xf32, #tpu.memory_space<hbm>> -> memref<1x16384xf32, #tpu.memory_space<hbm>>
    %dma_start3A_75 = tpu.memref_squeeze %dma_start3A_74 : memref<1x16384xf32, #tpu.memory_space<hbm>> -> memref<16384xf32, #tpu.memory_space<hbm>>
    tpu.enqueue_dma source(%dma_start3A_75 : memref<16384xf32, #tpu.memory_space<hbm>>) target(%arg10 : memref<16384xf32, #tpu.memory_space<vmem>>) target_semaphore(%arg14 : memref<!tpu.dma_semaphore, #tpu.memory_space<semaphore_mem>>)
    %scan3A = arith.constant 0 : i32
    %scan3A_76 = arith.constant 0 : i32
    %scan3A_77 = arith.constant 64 : i32
    %scan3A_78 = arith.addi %scan3A_76, %scan3A_77 : i32
    %scan3A_79 = arith.constant 1 : i32
    scf.for %scan3A_97 = %scan3A_76 to %scan3A_78 step %scan3A_79  : i32 {
      %mul3A_98 = arith.constant 2 : i32
      %mul3A_99 = arith.muli %scan3A_97, %mul3A_98 : i32
      %add3A_100 = arith.constant 0 : i32
      %add3A_101 = arith.addi %mul3A_99, %add3A_100 : i32
      %add3A_102 = arith.addi %mul3A_2, %add3A_101 : i32
      %dma_wait3A_103 = arith.constant 0 : i32
      %dma_wait3A_104 = tpu.memref_slice %arg4[%add3A_102, %dma_wait3A_103] : memref<4096x16384xf32, #tpu.memory_space<hbm>> -> memref<1x16384xf32, #tpu.memory_space<hbm>>
      %dma_wait3A_105 = tpu.memref_squeeze %dma_wait3A_104 : memref<1x16384xf32, #tpu.memory_space<hbm>> -> memref<16384xf32, #tpu.memory_space<hbm>>
      %dma_wait3A_106 = arith.constant 0 : i32
      %dma_wait3A_107 = tpu.memref_slice %arg4[%add3A_102, %dma_wait3A_106] : memref<4096x16384xf32, #tpu.memory_space<hbm>> -> memref<1x16384xf32, #tpu.memory_space<hbm>>
      %dma_wait3A_108 = tpu.memref_squeeze %dma_wait3A_107 : memref<1x16384xf32, #tpu.memory_space<hbm>> -> memref<16384xf32, #tpu.memory_space<hbm>>
      tpu.wait_dma2 semaphore(%arg13 : memref<!tpu.dma_semaphore, #tpu.memory_space<semaphore_mem>>) src(%dma_wait3A_108 : memref<16384xf32, #tpu.memory_space<hbm>>) dst(%arg9 : memref<16384xf32, #tpu.memory_space<vmem>>)
      %gt3A = arith.constant 0 : i32
      %gt3A_109 = arith.cmpi sgt, %scan3A_97, %gt3A : i32
      %convert_element_type3A = arith.extui %gt3A_109 : i1 to i32
      %cond3A = arith.constant 0 : i32
      %cond3A_110 = arith.cmpi ne, %convert_element_type3A, %cond3A : i32
      scf.if %cond3A_110 {
        %dma_wait3A_166 = arith.constant 0 : i32
        %dma_wait3A_167 = tpu.memref_slice %arg5[%add3A_102, %dma_wait3A_166] : memref<4096x16384xf32, #tpu.memory_space<hbm>> -> memref<1x16384xf32, #tpu.memory_space<hbm>>
        %dma_wait3A_168 = tpu.memref_squeeze %dma_wait3A_167 : memref<1x16384xf32, #tpu.memory_space<hbm>> -> memref<16384xf32, #tpu.memory_space<hbm>>
        %dma_wait3A_169 = arith.constant 0 : i32
        %dma_wait3A_170 = tpu.memref_slice %arg5[%add3A_102, %dma_wait3A_169] : memref<4096x16384xf32, #tpu.memory_space<hbm>> -> memref<1x16384xf32, #tpu.memory_space<hbm>>
        %dma_wait3A_171 = tpu.memref_squeeze %dma_wait3A_170 : memref<1x16384xf32, #tpu.memory_space<hbm>> -> memref<16384xf32, #tpu.memory_space<hbm>>
        tpu.wait_dma2 semaphore(%arg15 : memref<!tpu.dma_semaphore, #tpu.memory_space<semaphore_mem>>) src(%arg11 : memref<16384xf32, #tpu.memory_space<vmem>>) dst(%dma_wait3A_171 : memref<16384xf32, #tpu.memory_space<hbm>>)
      } else {
      }
      %broadcast_in_dim3A = vector.broadcast %add3A_101 : i32 to vector<16xi32>
      %gather3A = tpu.vector_load_idx %arg6[%broadcast_in_dim3A] : memref<128xi32, #tpu.memory_space<vmem>>[vector<16xi32>], vector<16xi32>,
      %and3A = arith.constant 1 : i32
      %and3A_111 = vector.broadcast %and3A : i32 to vector<16xi32>
      %and3A_112 = arith.andi %gather3A, %and3A_111 : vector<16xi32>
      %mul3A_113 = arith.constant 64 : i32
      %mul3A_114 = vector.broadcast %mul3A_113 : i32 to vector<16xi32>
      %mul3A_115 = arith.muli %and3A_112, %mul3A_114 : vector<16xi32>
      %parallel_loop3A = arith.constant 0 : i32
      %parallel_loop3A_116 = arith.constant 64 : i32
      %parallel_loop3A_117 = arith.constant 1 : i32
      scf.for %parallel_loop3A_166 = %parallel_loop3A to %parallel_loop3A_116 step %parallel_loop3A_117  : i32 {
        %parallel_loop3A_167 = vector.broadcast %parallel_loop3A_166 : i32 to vector<16xi32>
        %parallel_loop3A_168 = arith.addi %mul3A_115, %parallel_loop3A_167 : vector<16xi32>
        %parallel_loop3A_169 = tpu.vector_load_idx %arg8[%broadcast_in_dim3A, %parallel_loop3A_168] : memref<128x128xf32, #tpu.memory_space<vmem>>[vector<16xi32>, vector<16xi32>], vector<16xf32>,
        %parallel_loop3A_170 = arith.constant 256 : i32
        %parallel_loop3A_171 = arith.muli %parallel_loop3A_166, %parallel_loop3A_170 : i32
        %parallel_loop3A_172 = arith.constant 0 : i32
        %parallel_loop3A_173 = arith.addi %parallel_loop3A_171, %parallel_loop3A_172 : i32
        %parallel_loop3A_174 = arith.index_cast %parallel_loop3A_173 : i32 to index
        %parallel_loop3A_175 = tpu.vector_load %arg9[%parallel_loop3A_174] {strides = array<i32>} : memref<16384xf32, #tpu.memory_space<vmem>>, vector<16xf32>,
        %parallel_loop3A_176 = arith.subf %parallel_loop3A_175, %parallel_loop3A_169 : vector<16xf32>
        %parallel_loop3A_177 = arith.index_cast %parallel_loop3A_173 : i32 to index
        %parallel_loop3A_178 = tpu.vector_load %arg11[%parallel_loop3A_177] {strides = array<i32>} : memref<16384xf32, #tpu.memory_space<vmem>>, vector<16xf32>,
        tpu.vector_store %arg11[%parallel_loop3A_177], %parallel_loop3A_176 {strides = array<i32>} : memref<16384xf32, #tpu.memory_space<vmem>>, vector<16xf32>,
        %parallel_loop3A_179 = arith.constant 16 : i32
        %parallel_loop3A_180 = arith.addi %parallel_loop3A_171, %parallel_loop3A_179 : i32
        %parallel_loop3A_181 = arith.index_cast %parallel_loop3A_180 : i32 to index
        %parallel_loop3A_182 = tpu.vector_load %arg9[%parallel_loop3A_181] {strides = array<i32>} : memref<16384xf32, #tpu.memory_space<vmem>>, vector<16xf32>,
        %parallel_loop3A_183 = arith.subf %parallel_loop3A_182, %parallel_loop3A_169 : vector<16xf32>
        %parallel_loop3A_184 = arith.index_cast %parallel_loop3A_180 : i32 to index
        %parallel_loop3A_185 = tpu.vector_load %arg11[%parallel_loop3A_184] {strides = array<i32>} : memref<16384xf32, #tpu.memory_space<vmem>>, vector<16xf32>,
        tpu.vector_store %arg11[%parallel_loop3A_184], %parallel_loop3A_183 {strides = array<i32>} : memref<16384xf32, #tpu.memory_space<vmem>>, vector<16xf32>,
        %parallel_loop3A_186 = arith.constant 32 : i32
        %parallel_loop3A_187 = arith.addi %parallel_loop3A_171, %parallel_loop3A_186 : i32
        %parallel_loop3A_188 = arith.index_cast %parallel_loop3A_187 : i32 to index
        %parallel_loop3A_189 = tpu.vector_load %arg9[%parallel_loop3A_188] {strides = array<i32>} : memref<16384xf32, #tpu.memory_space<vmem>>, vector<16xf32>,
        %parallel_loop3A_190 = arith.subf %parallel_loop3A_189, %parallel_loop3A_169 : vector<16xf32>
        %parallel_loop3A_191 = arith.index_cast %parallel_loop3A_187 : i32 to index
        %parallel_loop3A_192 = tpu.vector_load %arg11[%parallel_loop3A_191] {strides = array<i32>} : memref<16384xf32, #tpu.memory_space<vmem>>, vector<16xf32>,
        tpu.vector_store %arg11[%parallel_loop3A_191], %parallel_loop3A_190 {strides = array<i32>} : memref<16384xf32, #tpu.memory_space<vmem>>, vector<16xf32>,
        %parallel_loop3A_193 = arith.constant 48 : i32
        %parallel_loop3A_194 = arith.addi %parallel_loop3A_171, %parallel_loop3A_193 : i32
        %parallel_loop3A_195 = arith.index_cast %parallel_loop3A_194 : i32 to index
        %parallel_loop3A_196 = tpu.vector_load %arg9[%parallel_loop3A_195] {strides = array<i32>} : memref<16384xf32, #tpu.memory_space<vmem>>, vector<16xf32>,
        %parallel_loop3A_197 = arith.subf %parallel_loop3A_196, %parallel_loop3A_169 : vector<16xf32>
        %parallel_loop3A_198 = arith.index_cast %parallel_loop3A_194 : i32 to index
        %parallel_loop3A_199 = tpu.vector_load %arg11[%parallel_loop3A_198] {strides = array<i32>} : memref<16384xf32, #tpu.memory_space<vmem>>, vector<16xf32>,
        tpu.vector_store %arg11[%parallel_loop3A_198], %parallel_loop3A_197 {strides = array<i32>} : memref<16384xf32, #tpu.memory_space<vmem>>, vector<16xf32>,
        %parallel_loop3A_200 = arith.constant 64 : i32
        %parallel_loop3A_201 = arith.addi %parallel_loop3A_171, %parallel_loop3A_200 : i32
        %parallel_loop3A_202 = arith.index_cast %parallel_loop3A_201 : i32 to index
        %parallel_loop3A_203 = tpu.vector_load %arg9[%parallel_loop3A_202] {strides = array<i32>} : memref<16384xf32, #tpu.memory_space<vmem>>, vector<16xf32>,
        %parallel_loop3A_204 = arith.subf %parallel_loop3A_203, %parallel_loop3A_169 : vector<16xf32>
        %parallel_loop3A_205 = arith.index_cast %parallel_loop3A_201 : i32 to index
        %parallel_loop3A_206 = tpu.vector_load %arg11[%parallel_loop3A_205] {strides = array<i32>} : memref<16384xf32, #tpu.memory_space<vmem>>, vector<16xf32>,
        tpu.vector_store %arg11[%parallel_loop3A_205], %parallel_loop3A_204 {strides = array<i32>} : memref<16384xf32, #tpu.memory_space<vmem>>, vector<16xf32>,
        %parallel_loop3A_207 = arith.constant 80 : i32
        %parallel_loop3A_208 = arith.addi %parallel_loop3A_171, %parallel_loop3A_207 : i32
        %parallel_loop3A_209 = arith.index_cast %parallel_loop3A_208 : i32 to index
        %parallel_loop3A_210 = tpu.vector_load %arg9[%parallel_loop3A_209] {strides = array<i32>} : memref<16384xf32, #tpu.memory_space<vmem>>, vector<16xf32>,
        %parallel_loop3A_211 = arith.subf %parallel_loop3A_210, %parallel_loop3A_169 : vector<16xf32>
        %parallel_loop3A_212 = arith.index_cast %parallel_loop3A_208 : i32 to index
        %parallel_loop3A_213 = tpu.vector_load %arg11[%parallel_loop3A_212] {strides = array<i32>} : memref<16384xf32, #tpu.memory_space<vmem>>, vector<16xf32>,
        tpu.vector_store %arg11[%parallel_loop3A_212], %parallel_loop3A_211 {strides = array<i32>} : memref<16384xf32, #tpu.memory_space<vmem>>, vector<16xf32>,
        %parallel_loop3A_214 = arith.constant 96 : i32
        %parallel_loop3A_215 = arith.addi %parallel_loop3A_171, %parallel_loop3A_214 : i32
        %parallel_loop3A_216 = arith.index_cast %parallel_loop3A_215 : i32 to index
        %parallel_loop3A_217 = tpu.vector_load %arg9[%parallel_loop3A_216] {strides = array<i32>} : memref<16384xf32, #tpu.memory_space<vmem>>, vector<16xf32>,
        %parallel_loop3A_218 = arith.subf %parallel_loop3A_217, %parallel_loop3A_169 : vector<16xf32>
        %parallel_loop3A_219 = arith.index_cast %parallel_loop3A_215 : i32 to index
        %parallel_loop3A_220 = tpu.vector_load %arg11[%parallel_loop3A_219] {strides = array<i32>} : memref<16384xf32, #tpu.memory_space<vmem>>, vector<16xf32>,
        tpu.vector_store %arg11[%parallel_loop3A_219], %parallel_loop3A_218 {strides = array<i32>} : memref<16384xf32, #tpu.memory_space<vmem>>, vector<16xf32>,
        %parallel_loop3A_221 = arith.constant 112 : i32
        %parallel_loop3A_222 = arith.addi %parallel_loop3A_171, %parallel_loop3A_221 : i32
        %parallel_loop3A_223 = arith.index_cast %parallel_loop3A_222 : i32 to index
        %parallel_loop3A_224 = tpu.vector_load %arg9[%parallel_loop3A_223] {strides = array<i32>} : memref<16384xf32, #tpu.memory_space<vmem>>, vector<16xf32>,
        %parallel_loop3A_225 = arith.subf %parallel_loop3A_224, %parallel_loop3A_169 : vector<16xf32>
        %parallel_loop3A_226 = arith.index_cast %parallel_loop3A_222 : i32 to index
        %parallel_loop3A_227 = tpu.vector_load %arg11[%parallel_loop3A_226] {strides = array<i32>} : memref<16384xf32, #tpu.memory_space<vmem>>, vector<16xf32>,
        tpu.vector_store %arg11[%parallel_loop3A_226], %parallel_loop3A_225 {strides = array<i32>} : memref<16384xf32, #tpu.memory_space<vmem>>, vector<16xf32>,
        %parallel_loop3A_228 = arith.constant 128 : i32
        %parallel_loop3A_229 = arith.addi %parallel_loop3A_171, %parallel_loop3A_228 : i32
        %parallel_loop3A_230 = arith.index_cast %parallel_loop3A_229 : i32 to index
        %parallel_loop3A_231 = tpu.vector_load %arg9[%parallel_loop3A_230] {strides = array<i32>} : memref<16384xf32, #tpu.memory_space<vmem>>, vector<16xf32>,
        %parallel_loop3A_232 = arith.subf %parallel_loop3A_231, %parallel_loop3A_169 : vector<16xf32>
        %parallel_loop3A_233 = arith.index_cast %parallel_loop3A_229 : i32 to index
        %parallel_loop3A_234 = tpu.vector_load %arg11[%parallel_loop3A_233] {strides = array<i32>} : memref<16384xf32, #tpu.memory_space<vmem>>, vector<16xf32>,
        tpu.vector_store %arg11[%parallel_loop3A_233], %parallel_loop3A_232 {strides = array<i32>} : memref<16384xf32, #tpu.memory_space<vmem>>, vector<16xf32>,
        %parallel_loop3A_235 = arith.constant 144 : i32
        %parallel_loop3A_236 = arith.addi %parallel_loop3A_171, %parallel_loop3A_235 : i32
        %parallel_loop3A_237 = arith.index_cast %parallel_loop3A_236 : i32 to index
        %parallel_loop3A_238 = tpu.vector_load %arg9[%parallel_loop3A_237] {strides = array<i32>} : memref<16384xf32, #tpu.memory_space<vmem>>, vector<16xf32>,
        %parallel_loop3A_239 = arith.subf %parallel_loop3A_238, %parallel_loop3A_169 : vector<16xf32>
        %parallel_loop3A_240 = arith.index_cast %parallel_loop3A_236 : i32 to index
        %parallel_loop3A_241 = tpu.vector_load %arg11[%parallel_loop3A_240] {strides = array<i32>} : memref<16384xf32, #tpu.memory_space<vmem>>, vector<16xf32>,
        tpu.vector_store %arg11[%parallel_loop3A_240], %parallel_loop3A_239 {strides = array<i32>} : memref<16384xf32, #tpu.memory_space<vmem>>, vector<16xf32>,
        %parallel_loop3A_242 = arith.constant 160 : i32
        %parallel_loop3A_243 = arith.addi %parallel_loop3A_171, %parallel_loop3A_242 : i32
        %parallel_loop3A_244 = arith.index_cast %parallel_loop3A_243 : i32 to index
        %parallel_loop3A_245 = tpu.vector_load %arg9[%parallel_loop3A_244] {strides = array<i32>} : memref<16384xf32, #tpu.memory_space<vmem>>, vector<16xf32>,
        %parallel_loop3A_246 = arith.subf %parallel_loop3A_245, %parallel_loop3A_169 : vector<16xf32>
        %parallel_loop3A_247 = arith.index_cast %parallel_loop3A_243 : i32 to index
        %parallel_loop3A_248 = tpu.vector_load %arg11[%parallel_loop3A_247] {strides = array<i32>} : memref<16384xf32, #tpu.memory_space<vmem>>, vector<16xf32>,
        tpu.vector_store %arg11[%parallel_loop3A_247], %parallel_loop3A_246 {strides = array<i32>} : memref<16384xf32, #tpu.memory_space<vmem>>, vector<16xf32>,
        %parallel_loop3A_249 = arith.constant 176 : i32
        %parallel_loop3A_250 = arith.addi %parallel_loop3A_171, %parallel_loop3A_249 : i32
        %parallel_loop3A_251 = arith.index_cast %parallel_loop3A_250 : i32 to index
        %parallel_loop3A_252 = tpu.vector_load %arg9[%parallel_loop3A_251] {strides = array<i32>} : memref<16384xf32, #tpu.memory_space<vmem>>, vector<16xf32>,
        %parallel_loop3A_253 = arith.subf %parallel_loop3A_252, %parallel_loop3A_169 : vector<16xf32>
        %parallel_loop3A_254 = arith.index_cast %parallel_loop3A_250 : i32 to index
        %parallel_loop3A_255 = tpu.vector_load %arg11[%parallel_loop3A_254] {strides = array<i32>} : memref<16384xf32, #tpu.memory_space<vmem>>, vector<16xf32>,
        tpu.vector_store %arg11[%parallel_loop3A_254], %parallel_loop3A_253 {strides = array<i32>} : memref<16384xf32, #tpu.memory_space<vmem>>, vector<16xf32>,
        %parallel_loop3A_256 = arith.constant 192 : i32
        %parallel_loop3A_257 = arith.addi %parallel_loop3A_171, %parallel_loop3A_256 : i32
        %parallel_loop3A_258 = arith.index_cast %parallel_loop3A_257 : i32 to index
        %parallel_loop3A_259 = tpu.vector_load %arg9[%parallel_loop3A_258] {strides = array<i32>} : memref<16384xf32, #tpu.memory_space<vmem>>, vector<16xf32>,
        %parallel_loop3A_260 = arith.subf %parallel_loop3A_259, %parallel_loop3A_169 : vector<16xf32>
        %parallel_loop3A_261 = arith.index_cast %parallel_loop3A_257 : i32 to index
        %parallel_loop3A_262 = tpu.vector_load %arg11[%parallel_loop3A_261] {strides = array<i32>} : memref<16384xf32, #tpu.memory_space<vmem>>, vector<16xf32>,
        tpu.vector_store %arg11[%parallel_loop3A_261], %parallel_loop3A_260 {strides = array<i32>} : memref<16384xf32, #tpu.memory_space<vmem>>, vector<16xf32>,
        %parallel_loop3A_263 = arith.constant 208 : i32
        %parallel_loop3A_264 = arith.addi %parallel_loop3A_171, %parallel_loop3A_263 : i32
        %parallel_loop3A_265 = arith.index_cast %parallel_loop3A_264 : i32 to index
        %parallel_loop3A_266 = tpu.vector_load %arg9[%parallel_loop3A_265] {strides = array<i32>} : memref<16384xf32, #tpu.memory_space<vmem>>, vector<16xf32>,
        %parallel_loop3A_267 = arith.subf %parallel_loop3A_266, %parallel_loop3A_169 : vector<16xf32>
        %parallel_loop3A_268 = arith.index_cast %parallel_loop3A_264 : i32 to index
        %parallel_loop3A_269 = tpu.vector_load %arg11[%parallel_loop3A_268] {strides = array<i32>} : memref<16384xf32, #tpu.memory_space<vmem>>, vector<16xf32>,
        tpu.vector_store %arg11[%parallel_loop3A_268], %parallel_loop3A_267 {strides = array<i32>} : memref<16384xf32, #tpu.memory_space<vmem>>, vector<16xf32>,
        %parallel_loop3A_270 = arith.constant 224 : i32
        %parallel_loop3A_271 = arith.addi %parallel_loop3A_171, %parallel_loop3A_270 : i32
        %parallel_loop3A_272 = arith.index_cast %parallel_loop3A_271 : i32 to index
        %parallel_loop3A_273 = tpu.vector_load %arg9[%parallel_loop3A_272] {strides = array<i32>} : memref<16384xf32, #tpu.memory_space<vmem>>, vector<16xf32>,
        %parallel_loop3A_274 = arith.subf %parallel_loop3A_273, %parallel_loop3A_169 : vector<16xf32>
        %parallel_loop3A_275 = arith.index_cast %parallel_loop3A_271 : i32 to index
        %parallel_loop3A_276 = tpu.vector_load %arg11[%parallel_loop3A_275] {strides = array<i32>} : memref<16384xf32, #tpu.memory_space<vmem>>, vector<16xf32>,
        tpu.vector_store %arg11[%parallel_loop3A_275], %parallel_loop3A_274 {strides = array<i32>} : memref<16384xf32, #tpu.memory_space<vmem>>, vector<16xf32>,
        %parallel_loop3A_277 = arith.constant 240 : i32
        %parallel_loop3A_278 = arith.addi %parallel_loop3A_171, %parallel_loop3A_277 : i32
        %parallel_loop3A_279 = arith.index_cast %parallel_loop3A_278 : i32 to index
        %parallel_loop3A_280 = tpu.vector_load %arg9[%parallel_loop3A_279] {strides = array<i32>} : memref<16384xf32, #tpu.memory_space<vmem>>, vector<16xf32>,
        %parallel_loop3A_281 = arith.subf %parallel_loop3A_280, %parallel_loop3A_169 : vector<16xf32>
        %parallel_loop3A_282 = arith.index_cast %parallel_loop3A_278 : i32 to index
        %parallel_loop3A_283 = tpu.vector_load %arg11[%parallel_loop3A_282] {strides = array<i32>} : memref<16384xf32, #tpu.memory_space<vmem>>, vector<16xf32>,
        tpu.vector_store %arg11[%parallel_loop3A_282], %parallel_loop3A_281 {strides = array<i32>} : memref<16384xf32, #tpu.memory_space<vmem>>, vector<16xf32>,
      } {sc.loop_unroll_factor = 4 : i64, sc.parallel_access}
      %dma_start3A_118 = arith.constant 0 : i32
      %dma_start3A_119 = tpu.memref_slice %arg5[%add3A_102, %dma_start3A_118] : memref<4096x16384xf32, #tpu.memory_space<hbm>> -> memref<1x16384xf32, #tpu.memory_space<hbm>>
      %dma_start3A_120 = tpu.memref_squeeze %dma_start3A_119 : memref<1x16384xf32, #tpu.memory_space<hbm>> -> memref<16384xf32, #tpu.memory_space<hbm>>
      %dma_start3A_121 = arith.constant 0 : i32
      %dma_start3A_122 = tpu.memref_slice %arg5[%add3A_102, %dma_start3A_121] : memref<4096x16384xf32, #tpu.memory_space<hbm>> -> memref<1x16384xf32, #tpu.memory_space<hbm>>
      %dma_start3A_123 = tpu.memref_squeeze %dma_start3A_122 : memref<1x16384xf32, #tpu.memory_space<hbm>> -> memref<16384xf32, #tpu.memory_space<hbm>>
      tpu.enqueue_dma source(%arg11 : memref<16384xf32, #tpu.memory_space<vmem>>) target(%dma_start3A_123 : memref<16384xf32, #tpu.memory_space<hbm>>) target_semaphore(%arg15 : memref<!tpu.dma_semaphore, #tpu.memory_space<semaphore_mem>>)
      %lt3A = arith.constant 63 : i32
      %lt3A_124 = arith.cmpi slt, %scan3A_97, %lt3A : i32
      %convert_element_type3A_125 = arith.extui %lt3A_124 : i1 to i32
      %cond3A_126 = arith.constant 0 : i32
      %cond3A_127 = arith.cmpi ne, %convert_element_type3A_125, %cond3A_126 : i32
      scf.if %cond3A_127 {
        %add3A_166 = arith.constant 2 : i32
        %add3A_167 = arith.addi %add3A_102, %add3A_166 : i32
        %dma_start3A_168 = arith.constant 0 : i32
        %dma_start3A_169 = tpu.memref_slice %arg4[%add3A_167, %dma_start3A_168] : memref<4096x16384xf32, #tpu.memory_space<hbm>> -> memref<1x16384xf32, #tpu.memory_space<hbm>>
        %dma_start3A_170 = tpu.memref_squeeze %dma_start3A_169 : memref<1x16384xf32, #tpu.memory_space<hbm>> -> memref<16384xf32, #tpu.memory_space<hbm>>
        %dma_start3A_171 = arith.constant 0 : i32
        %dma_start3A_172 = tpu.memref_slice %arg4[%add3A_167, %dma_start3A_171] : memref<4096x16384xf32, #tpu.memory_space<hbm>> -> memref<1x16384xf32, #tpu.memory_space<hbm>>
        %dma_start3A_173 = tpu.memref_squeeze %dma_start3A_172 : memref<1x16384xf32, #tpu.memory_space<hbm>> -> memref<16384xf32, #tpu.memory_space<hbm>>
        tpu.enqueue_dma source(%dma_start3A_173 : memref<16384xf32, #tpu.memory_space<hbm>>) target(%arg9 : memref<16384xf32, #tpu.memory_space<vmem>>) target_semaphore(%arg13 : memref<!tpu.dma_semaphore, #tpu.memory_space<semaphore_mem>>)
      } else {
      }
      %mul3A_128 = arith.constant 2 : i32
      %mul3A_129 = arith.muli %scan3A_97, %mul3A_128 : i32
      %add3A_130 = arith.constant 1 : i32
      %add3A_131 = arith.addi %mul3A_129, %add3A_130 : i32
      %add3A_132 = arith.addi %mul3A_2, %add3A_131 : i32
      %dma_wait3A_133 = arith.constant 0 : i32
      %dma_wait3A_134 = tpu.memref_slice %arg4[%add3A_132, %dma_wait3A_133] : memref<4096x16384xf32, #tpu.memory_space<hbm>> -> memref<1x16384xf32, #tpu.memory_space<hbm>>
      %dma_wait3A_135 = tpu.memref_squeeze %dma_wait3A_134 : memref<1x16384xf32, #tpu.memory_space<hbm>> -> memref<16384xf32, #tpu.memory_space<hbm>>
      %dma_wait3A_136 = arith.constant 0 : i32
      %dma_wait3A_137 = tpu.memref_slice %arg4[%add3A_132, %dma_wait3A_136] : memref<4096x16384xf32, #tpu.memory_space<hbm>> -> memref<1x16384xf32, #tpu.memory_space<hbm>>
      %dma_wait3A_138 = tpu.memref_squeeze %dma_wait3A_137 : memref<1x16384xf32, #tpu.memory_space<hbm>> -> memref<16384xf32, #tpu.memory_space<hbm>>
      tpu.wait_dma2 semaphore(%arg14 : memref<!tpu.dma_semaphore, #tpu.memory_space<semaphore_mem>>) src(%dma_wait3A_138 : memref<16384xf32, #tpu.memory_space<hbm>>) dst(%arg10 : memref<16384xf32, #tpu.memory_space<vmem>>)
      %gt3A_139 = arith.constant 0 : i32
      %gt3A_140 = arith.cmpi sgt, %scan3A_97, %gt3A_139 : i32
      %convert_element_type3A_141 = arith.extui %gt3A_140 : i1 to i32
      %cond3A_142 = arith.constant 0 : i32
      %cond3A_143 = arith.cmpi ne, %convert_element_type3A_141, %cond3A_142 : i32
      scf.if %cond3A_143 {
        %dma_wait3A_166 = arith.constant 0 : i32
        %dma_wait3A_167 = tpu.memref_slice %arg5[%add3A_132, %dma_wait3A_166] : memref<4096x16384xf32, #tpu.memory_space<hbm>> -> memref<1x16384xf32, #tpu.memory_space<hbm>>
        %dma_wait3A_168 = tpu.memref_squeeze %dma_wait3A_167 : memref<1x16384xf32, #tpu.memory_space<hbm>> -> memref<16384xf32, #tpu.memory_space<hbm>>
        %dma_wait3A_169 = arith.constant 0 : i32
        %dma_wait3A_170 = tpu.memref_slice %arg5[%add3A_132, %dma_wait3A_169] : memref<4096x16384xf32, #tpu.memory_space<hbm>> -> memref<1x16384xf32, #tpu.memory_space<hbm>>
        %dma_wait3A_171 = tpu.memref_squeeze %dma_wait3A_170 : memref<1x16384xf32, #tpu.memory_space<hbm>> -> memref<16384xf32, #tpu.memory_space<hbm>>
        tpu.wait_dma2 semaphore(%arg16 : memref<!tpu.dma_semaphore, #tpu.memory_space<semaphore_mem>>) src(%arg12 : memref<16384xf32, #tpu.memory_space<vmem>>) dst(%dma_wait3A_171 : memref<16384xf32, #tpu.memory_space<hbm>>)
      } else {
      }
      %broadcast_in_dim3A_144 = vector.broadcast %add3A_131 : i32 to vector<16xi32>
      %gather3A_145 = tpu.vector_load_idx %arg6[%broadcast_in_dim3A_144] : memref<128xi32, #tpu.memory_space<vmem>>[vector<16xi32>], vector<16xi32>,
      %and3A_146 = arith.constant 1 : i32
      %and3A_147 = vector.broadcast %and3A_146 : i32 to vector<16xi32>
      %and3A_148 = arith.andi %gather3A_145, %and3A_147 : vector<16xi32>
      %mul3A_149 = arith.constant 64 : i32
      %mul3A_150 = vector.broadcast %mul3A_149 : i32 to vector<16xi32>
      %mul3A_151 = arith.muli %and3A_148, %mul3A_150 : vector<16xi32>
      %parallel_loop3A_152 = arith.constant 0 : i32
      %parallel_loop3A_153 = arith.constant 64 : i32
      %parallel_loop3A_154 = arith.constant 1 : i32
      scf.for %parallel_loop3A_166 = %parallel_loop3A_152 to %parallel_loop3A_153 step %parallel_loop3A_154  : i32 {
        %parallel_loop3A_167 = vector.broadcast %parallel_loop3A_166 : i32 to vector<16xi32>
        %parallel_loop3A_168 = arith.addi %mul3A_151, %parallel_loop3A_167 : vector<16xi32>
        %parallel_loop3A_169 = tpu.vector_load_idx %arg8[%broadcast_in_dim3A_144, %parallel_loop3A_168] : memref<128x128xf32, #tpu.memory_space<vmem>>[vector<16xi32>, vector<16xi32>], vector<16xf32>,
        %parallel_loop3A_170 = arith.constant 256 : i32
        %parallel_loop3A_171 = arith.muli %parallel_loop3A_166, %parallel_loop3A_170 : i32
        %parallel_loop3A_172 = arith.constant 0 : i32
        %parallel_loop3A_173 = arith.addi %parallel_loop3A_171, %parallel_loop3A_172 : i32
        %parallel_loop3A_174 = arith.index_cast %parallel_loop3A_173 : i32 to index
        %parallel_loop3A_175 = tpu.vector_load %arg10[%parallel_loop3A_174] {strides = array<i32>} : memref<16384xf32, #tpu.memory_space<vmem>>, vector<16xf32>,
        %parallel_loop3A_176 = arith.subf %parallel_loop3A_175, %parallel_loop3A_169 : vector<16xf32>
        %parallel_loop3A_177 = arith.index_cast %parallel_loop3A_173 : i32 to index
        %parallel_loop3A_178 = tpu.vector_load %arg12[%parallel_loop3A_177] {strides = array<i32>} : memref<16384xf32, #tpu.memory_space<vmem>>, vector<16xf32>,
        tpu.vector_store %arg12[%parallel_loop3A_177], %parallel_loop3A_176 {strides = array<i32>} : memref<16384xf32, #tpu.memory_space<vmem>>, vector<16xf32>,
        %parallel_loop3A_179 = arith.constant 16 : i32
        %parallel_loop3A_180 = arith.addi %parallel_loop3A_171, %parallel_loop3A_179 : i32
        %parallel_loop3A_181 = arith.index_cast %parallel_loop3A_180 : i32 to index
        %parallel_loop3A_182 = tpu.vector_load %arg10[%parallel_loop3A_181] {strides = array<i32>} : memref<16384xf32, #tpu.memory_space<vmem>>, vector<16xf32>,
        %parallel_loop3A_183 = arith.subf %parallel_loop3A_182, %parallel_loop3A_169 : vector<16xf32>
        %parallel_loop3A_184 = arith.index_cast %parallel_loop3A_180 : i32 to index
        %parallel_loop3A_185 = tpu.vector_load %arg12[%parallel_loop3A_184] {strides = array<i32>} : memref<16384xf32, #tpu.memory_space<vmem>>, vector<16xf32>,
        tpu.vector_store %arg12[%parallel_loop3A_184], %parallel_loop3A_183 {strides = array<i32>} : memref<16384xf32, #tpu.memory_space<vmem>>, vector<16xf32>,
        %parallel_loop3A_186 = arith.constant 32 : i32
        %parallel_loop3A_187 = arith.addi %parallel_loop3A_171, %parallel_loop3A_186 : i32
        %parallel_loop3A_188 = arith.index_cast %parallel_loop3A_187 : i32 to index
        %parallel_loop3A_189 = tpu.vector_load %arg10[%parallel_loop3A_188] {strides = array<i32>} : memref<16384xf32, #tpu.memory_space<vmem>>, vector<16xf32>,
        %parallel_loop3A_190 = arith.subf %parallel_loop3A_189, %parallel_loop3A_169 : vector<16xf32>
        %parallel_loop3A_191 = arith.index_cast %parallel_loop3A_187 : i32 to index
        %parallel_loop3A_192 = tpu.vector_load %arg12[%parallel_loop3A_191] {strides = array<i32>} : memref<16384xf32, #tpu.memory_space<vmem>>, vector<16xf32>,
        tpu.vector_store %arg12[%parallel_loop3A_191], %parallel_loop3A_190 {strides = array<i32>} : memref<16384xf32, #tpu.memory_space<vmem>>, vector<16xf32>,
        %parallel_loop3A_193 = arith.constant 48 : i32
        %parallel_loop3A_194 = arith.addi %parallel_loop3A_171, %parallel_loop3A_193 : i32
        %parallel_loop3A_195 = arith.index_cast %parallel_loop3A_194 : i32 to index
        %parallel_loop3A_196 = tpu.vector_load %arg10[%parallel_loop3A_195] {strides = array<i32>} : memref<16384xf32, #tpu.memory_space<vmem>>, vector<16xf32>,
        %parallel_loop3A_197 = arith.subf %parallel_loop3A_196, %parallel_loop3A_169 : vector<16xf32>
        %parallel_loop3A_198 = arith.index_cast %parallel_loop3A_194 : i32 to index
        %parallel_loop3A_199 = tpu.vector_load %arg12[%parallel_loop3A_198] {strides = array<i32>} : memref<16384xf32, #tpu.memory_space<vmem>>, vector<16xf32>,
        tpu.vector_store %arg12[%parallel_loop3A_198], %parallel_loop3A_197 {strides = array<i32>} : memref<16384xf32, #tpu.memory_space<vmem>>, vector<16xf32>,
        %parallel_loop3A_200 = arith.constant 64 : i32
        %parallel_loop3A_201 = arith.addi %parallel_loop3A_171, %parallel_loop3A_200 : i32
        %parallel_loop3A_202 = arith.index_cast %parallel_loop3A_201 : i32 to index
        %parallel_loop3A_203 = tpu.vector_load %arg10[%parallel_loop3A_202] {strides = array<i32>} : memref<16384xf32, #tpu.memory_space<vmem>>, vector<16xf32>,
        %parallel_loop3A_204 = arith.subf %parallel_loop3A_203, %parallel_loop3A_169 : vector<16xf32>
        %parallel_loop3A_205 = arith.index_cast %parallel_loop3A_201 : i32 to index
        %parallel_loop3A_206 = tpu.vector_load %arg12[%parallel_loop3A_205] {strides = array<i32>} : memref<16384xf32, #tpu.memory_space<vmem>>, vector<16xf32>,
        tpu.vector_store %arg12[%parallel_loop3A_205], %parallel_loop3A_204 {strides = array<i32>} : memref<16384xf32, #tpu.memory_space<vmem>>, vector<16xf32>,
        %parallel_loop3A_207 = arith.constant 80 : i32
        %parallel_loop3A_208 = arith.addi %parallel_loop3A_171, %parallel_loop3A_207 : i32
        %parallel_loop3A_209 = arith.index_cast %parallel_loop3A_208 : i32 to index
        %parallel_loop3A_210 = tpu.vector_load %arg10[%parallel_loop3A_209] {strides = array<i32>} : memref<16384xf32, #tpu.memory_space<vmem>>, vector<16xf32>,
        %parallel_loop3A_211 = arith.subf %parallel_loop3A_210, %parallel_loop3A_169 : vector<16xf32>
        %parallel_loop3A_212 = arith.index_cast %parallel_loop3A_208 : i32 to index
        %parallel_loop3A_213 = tpu.vector_load %arg12[%parallel_loop3A_212] {strides = array<i32>} : memref<16384xf32, #tpu.memory_space<vmem>>, vector<16xf32>,
        tpu.vector_store %arg12[%parallel_loop3A_212], %parallel_loop3A_211 {strides = array<i32>} : memref<16384xf32, #tpu.memory_space<vmem>>, vector<16xf32>,
        %parallel_loop3A_214 = arith.constant 96 : i32
        %parallel_loop3A_215 = arith.addi %parallel_loop3A_171, %parallel_loop3A_214 : i32
        %parallel_loop3A_216 = arith.index_cast %parallel_loop3A_215 : i32 to index
        %parallel_loop3A_217 = tpu.vector_load %arg10[%parallel_loop3A_216] {strides = array<i32>} : memref<16384xf32, #tpu.memory_space<vmem>>, vector<16xf32>,
        %parallel_loop3A_218 = arith.subf %parallel_loop3A_217, %parallel_loop3A_169 : vector<16xf32>
        %parallel_loop3A_219 = arith.index_cast %parallel_loop3A_215 : i32 to index
        %parallel_loop3A_220 = tpu.vector_load %arg12[%parallel_loop3A_219] {strides = array<i32>} : memref<16384xf32, #tpu.memory_space<vmem>>, vector<16xf32>,
        tpu.vector_store %arg12[%parallel_loop3A_219], %parallel_loop3A_218 {strides = array<i32>} : memref<16384xf32, #tpu.memory_space<vmem>>, vector<16xf32>,
        %parallel_loop3A_221 = arith.constant 112 : i32
        %parallel_loop3A_222 = arith.addi %parallel_loop3A_171, %parallel_loop3A_221 : i32
        %parallel_loop3A_223 = arith.index_cast %parallel_loop3A_222 : i32 to index
        %parallel_loop3A_224 = tpu.vector_load %arg10[%parallel_loop3A_223] {strides = array<i32>} : memref<16384xf32, #tpu.memory_space<vmem>>, vector<16xf32>,
        %parallel_loop3A_225 = arith.subf %parallel_loop3A_224, %parallel_loop3A_169 : vector<16xf32>
        %parallel_loop3A_226 = arith.index_cast %parallel_loop3A_222 : i32 to index
        %parallel_loop3A_227 = tpu.vector_load %arg12[%parallel_loop3A_226] {strides = array<i32>} : memref<16384xf32, #tpu.memory_space<vmem>>, vector<16xf32>,
        tpu.vector_store %arg12[%parallel_loop3A_226], %parallel_loop3A_225 {strides = array<i32>} : memref<16384xf32, #tpu.memory_space<vmem>>, vector<16xf32>,
        %parallel_loop3A_228 = arith.constant 128 : i32
        %parallel_loop3A_229 = arith.addi %parallel_loop3A_171, %parallel_loop3A_228 : i32
        %parallel_loop3A_230 = arith.index_cast %parallel_loop3A_229 : i32 to index
        %parallel_loop3A_231 = tpu.vector_load %arg10[%parallel_loop3A_230] {strides = array<i32>} : memref<16384xf32, #tpu.memory_space<vmem>>, vector<16xf32>,
        %parallel_loop3A_232 = arith.subf %parallel_loop3A_231, %parallel_loop3A_169 : vector<16xf32>
        %parallel_loop3A_233 = arith.index_cast %parallel_loop3A_229 : i32 to index
        %parallel_loop3A_234 = tpu.vector_load %arg12[%parallel_loop3A_233] {strides = array<i32>} : memref<16384xf32, #tpu.memory_space<vmem>>, vector<16xf32>,
        tpu.vector_store %arg12[%parallel_loop3A_233], %parallel_loop3A_232 {strides = array<i32>} : memref<16384xf32, #tpu.memory_space<vmem>>, vector<16xf32>,
        %parallel_loop3A_235 = arith.constant 144 : i32
        %parallel_loop3A_236 = arith.addi %parallel_loop3A_171, %parallel_loop3A_235 : i32
        %parallel_loop3A_237 = arith.index_cast %parallel_loop3A_236 : i32 to index
        %parallel_loop3A_238 = tpu.vector_load %arg10[%parallel_loop3A_237] {strides = array<i32>} : memref<16384xf32, #tpu.memory_space<vmem>>, vector<16xf32>,
        %parallel_loop3A_239 = arith.subf %parallel_loop3A_238, %parallel_loop3A_169 : vector<16xf32>
        %parallel_loop3A_240 = arith.index_cast %parallel_loop3A_236 : i32 to index
        %parallel_loop3A_241 = tpu.vector_load %arg12[%parallel_loop3A_240] {strides = array<i32>} : memref<16384xf32, #tpu.memory_space<vmem>>, vector<16xf32>,
        tpu.vector_store %arg12[%parallel_loop3A_240], %parallel_loop3A_239 {strides = array<i32>} : memref<16384xf32, #tpu.memory_space<vmem>>, vector<16xf32>,
        %parallel_loop3A_242 = arith.constant 160 : i32
        %parallel_loop3A_243 = arith.addi %parallel_loop3A_171, %parallel_loop3A_242 : i32
        %parallel_loop3A_244 = arith.index_cast %parallel_loop3A_243 : i32 to index
        %parallel_loop3A_245 = tpu.vector_load %arg10[%parallel_loop3A_244] {strides = array<i32>} : memref<16384xf32, #tpu.memory_space<vmem>>, vector<16xf32>,
        %parallel_loop3A_246 = arith.subf %parallel_loop3A_245, %parallel_loop3A_169 : vector<16xf32>
        %parallel_loop3A_247 = arith.index_cast %parallel_loop3A_243 : i32 to index
        %parallel_loop3A_248 = tpu.vector_load %arg12[%parallel_loop3A_247] {strides = array<i32>} : memref<16384xf32, #tpu.memory_space<vmem>>, vector<16xf32>,
        tpu.vector_store %arg12[%parallel_loop3A_247], %parallel_loop3A_246 {strides = array<i32>} : memref<16384xf32, #tpu.memory_space<vmem>>, vector<16xf32>,
        %parallel_loop3A_249 = arith.constant 176 : i32
        %parallel_loop3A_250 = arith.addi %parallel_loop3A_171, %parallel_loop3A_249 : i32
        %parallel_loop3A_251 = arith.index_cast %parallel_loop3A_250 : i32 to index
        %parallel_loop3A_252 = tpu.vector_load %arg10[%parallel_loop3A_251] {strides = array<i32>} : memref<16384xf32, #tpu.memory_space<vmem>>, vector<16xf32>,
        %parallel_loop3A_253 = arith.subf %parallel_loop3A_252, %parallel_loop3A_169 : vector<16xf32>
        %parallel_loop3A_254 = arith.index_cast %parallel_loop3A_250 : i32 to index
        %parallel_loop3A_255 = tpu.vector_load %arg12[%parallel_loop3A_254] {strides = array<i32>} : memref<16384xf32, #tpu.memory_space<vmem>>, vector<16xf32>,
        tpu.vector_store %arg12[%parallel_loop3A_254], %parallel_loop3A_253 {strides = array<i32>} : memref<16384xf32, #tpu.memory_space<vmem>>, vector<16xf32>,
        %parallel_loop3A_256 = arith.constant 192 : i32
        %parallel_loop3A_257 = arith.addi %parallel_loop3A_171, %parallel_loop3A_256 : i32
        %parallel_loop3A_258 = arith.index_cast %parallel_loop3A_257 : i32 to index
        %parallel_loop3A_259 = tpu.vector_load %arg10[%parallel_loop3A_258] {strides = array<i32>} : memref<16384xf32, #tpu.memory_space<vmem>>, vector<16xf32>,
        %parallel_loop3A_260 = arith.subf %parallel_loop3A_259, %parallel_loop3A_169 : vector<16xf32>
        %parallel_loop3A_261 = arith.index_cast %parallel_loop3A_257 : i32 to index
        %parallel_loop3A_262 = tpu.vector_load %arg12[%parallel_loop3A_261] {strides = array<i32>} : memref<16384xf32, #tpu.memory_space<vmem>>, vector<16xf32>,
        tpu.vector_store %arg12[%parallel_loop3A_261], %parallel_loop3A_260 {strides = array<i32>} : memref<16384xf32, #tpu.memory_space<vmem>>, vector<16xf32>,
        %parallel_loop3A_263 = arith.constant 208 : i32
        %parallel_loop3A_264 = arith.addi %parallel_loop3A_171, %parallel_loop3A_263 : i32
        %parallel_loop3A_265 = arith.index_cast %parallel_loop3A_264 : i32 to index
        %parallel_loop3A_266 = tpu.vector_load %arg10[%parallel_loop3A_265] {strides = array<i32>} : memref<16384xf32, #tpu.memory_space<vmem>>, vector<16xf32>,
        %parallel_loop3A_267 = arith.subf %parallel_loop3A_266, %parallel_loop3A_169 : vector<16xf32>
        %parallel_loop3A_268 = arith.index_cast %parallel_loop3A_264 : i32 to index
        %parallel_loop3A_269 = tpu.vector_load %arg12[%parallel_loop3A_268] {strides = array<i32>} : memref<16384xf32, #tpu.memory_space<vmem>>, vector<16xf32>,
        tpu.vector_store %arg12[%parallel_loop3A_268], %parallel_loop3A_267 {strides = array<i32>} : memref<16384xf32, #tpu.memory_space<vmem>>, vector<16xf32>,
        %parallel_loop3A_270 = arith.constant 224 : i32
        %parallel_loop3A_271 = arith.addi %parallel_loop3A_171, %parallel_loop3A_270 : i32
        %parallel_loop3A_272 = arith.index_cast %parallel_loop3A_271 : i32 to index
        %parallel_loop3A_273 = tpu.vector_load %arg10[%parallel_loop3A_272] {strides = array<i32>} : memref<16384xf32, #tpu.memory_space<vmem>>, vector<16xf32>,
        %parallel_loop3A_274 = arith.subf %parallel_loop3A_273, %parallel_loop3A_169 : vector<16xf32>
        %parallel_loop3A_275 = arith.index_cast %parallel_loop3A_271 : i32 to index
        %parallel_loop3A_276 = tpu.vector_load %arg12[%parallel_loop3A_275] {strides = array<i32>} : memref<16384xf32, #tpu.memory_space<vmem>>, vector<16xf32>,
        tpu.vector_store %arg12[%parallel_loop3A_275], %parallel_loop3A_274 {strides = array<i32>} : memref<16384xf32, #tpu.memory_space<vmem>>, vector<16xf32>,
        %parallel_loop3A_277 = arith.constant 240 : i32
        %parallel_loop3A_278 = arith.addi %parallel_loop3A_171, %parallel_loop3A_277 : i32
        %parallel_loop3A_279 = arith.index_cast %parallel_loop3A_278 : i32 to index
        %parallel_loop3A_280 = tpu.vector_load %arg10[%parallel_loop3A_279] {strides = array<i32>} : memref<16384xf32, #tpu.memory_space<vmem>>, vector<16xf32>,
        %parallel_loop3A_281 = arith.subf %parallel_loop3A_280, %parallel_loop3A_169 : vector<16xf32>
        %parallel_loop3A_282 = arith.index_cast %parallel_loop3A_278 : i32 to index
        %parallel_loop3A_283 = tpu.vector_load %arg12[%parallel_loop3A_282] {strides = array<i32>} : memref<16384xf32, #tpu.memory_space<vmem>>, vector<16xf32>,
        tpu.vector_store %arg12[%parallel_loop3A_282], %parallel_loop3A_281 {strides = array<i32>} : memref<16384xf32, #tpu.memory_space<vmem>>, vector<16xf32>,
      } {sc.loop_unroll_factor = 4 : i64, sc.parallel_access}
      %dma_start3A_155 = arith.constant 0 : i32
      %dma_start3A_156 = tpu.memref_slice %arg5[%add3A_132, %dma_start3A_155] : memref<4096x16384xf32, #tpu.memory_space<hbm>> -> memref<1x16384xf32, #tpu.memory_space<hbm>>
      %dma_start3A_157 = tpu.memref_squeeze %dma_start3A_156 : memref<1x16384xf32, #tpu.memory_space<hbm>> -> memref<16384xf32, #tpu.memory_space<hbm>>
      %dma_start3A_158 = arith.constant 0 : i32
      %dma_start3A_159 = tpu.memref_slice %arg5[%add3A_132, %dma_start3A_158] : memref<4096x16384xf32, #tpu.memory_space<hbm>> -> memref<1x16384xf32, #tpu.memory_space<hbm>>
      %dma_start3A_160 = tpu.memref_squeeze %dma_start3A_159 : memref<1x16384xf32, #tpu.memory_space<hbm>> -> memref<16384xf32, #tpu.memory_space<hbm>>
      tpu.enqueue_dma source(%arg12 : memref<16384xf32, #tpu.memory_space<vmem>>) target(%dma_start3A_160 : memref<16384xf32, #tpu.memory_space<hbm>>) target_semaphore(%arg16 : memref<!tpu.dma_semaphore, #tpu.memory_space<semaphore_mem>>)
      %lt3A_161 = arith.constant 63 : i32
      %lt3A_162 = arith.cmpi slt, %scan3A_97, %lt3A_161 : i32
      %convert_element_type3A_163 = arith.extui %lt3A_162 : i1 to i32
      %cond3A_164 = arith.constant 0 : i32
      %cond3A_165 = arith.cmpi ne, %convert_element_type3A_163, %cond3A_164 : i32
      scf.if %cond3A_165 {
        %add3A_166 = arith.constant 2 : i32
        %add3A_167 = arith.addi %add3A_132, %add3A_166 : i32
        %dma_start3A_168 = arith.constant 0 : i32
        %dma_start3A_169 = tpu.memref_slice %arg4[%add3A_167, %dma_start3A_168] : memref<4096x16384xf32, #tpu.memory_space<hbm>> -> memref<1x16384xf32, #tpu.memory_space<hbm>>
        %dma_start3A_170 = tpu.memref_squeeze %dma_start3A_169 : memref<1x16384xf32, #tpu.memory_space<hbm>> -> memref<16384xf32, #tpu.memory_space<hbm>>
        %dma_start3A_171 = arith.constant 0 : i32
        %dma_start3A_172 = tpu.memref_slice %arg4[%add3A_167, %dma_start3A_171] : memref<4096x16384xf32, #tpu.memory_space<hbm>> -> memref<1x16384xf32, #tpu.memory_space<hbm>>
        %dma_start3A_173 = tpu.memref_squeeze %dma_start3A_172 : memref<1x16384xf32, #tpu.memory_space<hbm>> -> memref<16384xf32, #tpu.memory_space<hbm>>
        tpu.enqueue_dma source(%dma_start3A_173 : memref<16384xf32, #tpu.memory_space<hbm>>) target(%arg10 : memref<16384xf32, #tpu.memory_space<vmem>>) target_semaphore(%arg14 : memref<!tpu.dma_semaphore, #tpu.memory_space<semaphore_mem>>)
      } else {
      }
    }
    %scan3A_80 = arith.constant 64 : i32
    %add3A_81 = arith.constant 0 : i32
    %add3A_82 = arith.addi %mul3A_2, %add3A_81 : i32
    %dma_wait3A_83 = arith.constant 0 : i32
    %dma_wait3A_84 = tpu.memref_slice %arg5[%add3A_82, %dma_wait3A_83] : memref<4096x16384xf32, #tpu.memory_space<hbm>> -> memref<1x16384xf32, #tpu.memory_space<hbm>>
    %dma_wait3A_85 = tpu.memref_squeeze %dma_wait3A_84 : memref<1x16384xf32, #tpu.memory_space<hbm>> -> memref<16384xf32, #tpu.memory_space<hbm>>
    %dma_wait3A_86 = arith.constant 0 : i32
    %dma_wait3A_87 = tpu.memref_slice %arg5[%add3A_82, %dma_wait3A_86] : memref<4096x16384xf32, #tpu.memory_space<hbm>> -> memref<1x16384xf32, #tpu.memory_space<hbm>>
    %dma_wait3A_88 = tpu.memref_squeeze %dma_wait3A_87 : memref<1x16384xf32, #tpu.memory_space<hbm>> -> memref<16384xf32, #tpu.memory_space<hbm>>
    tpu.wait_dma2 semaphore(%arg15 : memref<!tpu.dma_semaphore, #tpu.memory_space<semaphore_mem>>) src(%arg11 : memref<16384xf32, #tpu.memory_space<vmem>>) dst(%dma_wait3A_88 : memref<16384xf32, #tpu.memory_space<hbm>>)
    %add3A_89 = arith.constant 1 : i32
    %add3A_90 = arith.addi %mul3A_2, %add3A_89 : i32
    %dma_wait3A_91 = arith.constant 0 : i32
    %dma_wait3A_92 = tpu.memref_slice %arg5[%add3A_90, %dma_wait3A_91] : memref<4096x16384xf32, #tpu.memory_space<hbm>> -> memref<1x16384xf32, #tpu.memory_space<hbm>>
    %dma_wait3A_93 = tpu.memref_squeeze %dma_wait3A_92 : memref<1x16384xf32, #tpu.memory_space<hbm>> -> memref<16384xf32, #tpu.memory_space<hbm>>
    %dma_wait3A_94 = arith.constant 0 : i32
    %dma_wait3A_95 = tpu.memref_slice %arg5[%add3A_90, %dma_wait3A_94] : memref<4096x16384xf32, #tpu.memory_space<hbm>> -> memref<1x16384xf32, #tpu.memory_space<hbm>>
    %dma_wait3A_96 = tpu.memref_squeeze %dma_wait3A_95 : memref<1x16384xf32, #tpu.memory_space<hbm>> -> memref<16384xf32, #tpu.memory_space<hbm>>
    tpu.wait_dma2 semaphore(%arg16 : memref<!tpu.dma_semaphore, #tpu.memory_space<semaphore_mem>>) src(%arg12 : memref<16384xf32, #tpu.memory_space<vmem>>) dst(%dma_wait3A_96 : memref<16384xf32, #tpu.memory_space<hbm>>)
    return
  }
}

</mosaic_0001>

<sc_bundles>
// kernel: kernel.3.cloned.1.call-start
scs
__scs_entry_jumppad:
0x0: {  	(pc) =	sbr.rel $0x88, $3  }
0x1: {  	(tag) =	ssettag $0x0;
	lr =	simm.s32 $0x1  }
0x2: {  	[smem:$0x3F9C] =	sst lr;
	_ =	strace $0xD0000000  }
0x3: {  	_ = 	snop  }
0x4: {  	_ = 	snop  }
0x5: {  	_ = 	snop  }
0x6: {  	_ = 	snop  }
0x7: {  	_ = 	snop  }
__scs_overlays_trampoline_lowered:
0x8: {  	[smem:$0x3FAB] =	sst s0  }
0x9: {  	[smem:$0x3FAC] =	sst s1  }
0xa: {  	[smem:$0x3FAD] =	sst s2  }
0xb: {  	[smem:$0x3FAE] =	sst s3  }
0xc: {  	[smem:$0x3FAF] =	sst s4  }
0xd: {  	[smem:$0x3FB0] =	sst s5  }
0xe: {  	[smem:$0x3FB1] =	sst s6  }
0xf: {  	[smem:$0x3FB2] =	sst s7  }
0x10: {  	[smem:$0x3FB3] =	sst s8  }
0x11: {  	[smem:$0x3FB4] =	sst s9;
	s0 =	simm.s32 @!p0 $0x0  }
0x12: {  	s1 =	sld [smem:$0x3F9A];
	s0 =	simm.s32 @p0 $0x1  }
0x13: {  	[smem:$0x3FB5] =	sst s0;
	s0 =	simm.s32 @!p1 $0x0  }
0x14: {  	s2 =	sld [smem:$0x3F99];
	s0 =	simm.s32 @p1 $0x1  }
0x15: {  	[smem:$0x3FB6] =	sst s0;
	s0 =	simm.s32 @!p2 $0x0  }
0x16: {  	s3 =	sld [smem:$0x3FDB];
	s0 =	simm.s32 @p2 $0x1  }
0x17: {  	s4 =	simm.s32 $0x1BF5;
	[smem:$0x3FB8] =	sst s0  }
0x18: {  	s0 =	sld [smem:$0x3F9B];
	_ =	swait.ge [sflag:s4], $0x0  }
0x19: {  	s7 =	sld [smem:$0x3F9C]  }
0x1a: {  	s8 =	sadd.s32 $0xFFFFE003, lr  }
0x1b: {  	s9 =	sadd.s32 $0xFFFFFEF7, lr;
	s5 =	simm.s32 $0xFFFFFFFF;
	p2 =	slt.u32 s8, $0xFFFFF086  }
0x1c: {  	p1 =	slt.u32 s9, $0xF7A;
	s5 =	simm.s32 @!p2 $0x0  }
0x1d: {  	s5 =	simm.s32 @p1 $0x1;
	p0 =	seq.s32 s7, s2  }
0x1e: {  	s7 =	smul.u32 @!p0 $0xF7A, s2;
	p2 =	seq.s32 @!p0 s5, $0x0  }
0x1f: {  	s9 =	smul.u32 $0xF7A, s1;
	s8 =	simm.s32 @!p0 $0x1BF5;
	p2 =	por !p2, p0  }
0x20: {  	[sflag:s8] =	ssyncset.s32 @!p0 $0xFFFFF086;
	s6 =	sadd.s32 @!p0 s3, s7;
	s7 =	simm.s32 @!p0 $0x108  }
0x21: {  	s3 =	sadd.s32 s3, s9;
	s6 =	sadd.s32 @!p0 $0x88, s6;
	s7 =	simm.s32 @p2 $0x1082  }
0x22: {  	[simem:s7], [sflag:s8] =	dma.local @!p0 [hbm:s6], $0xF7A  }
0x23: {  	s9 =	sor.u32 $0xD0000000, s2;
	s6 =	simm.s32 $0x108;
	_ =	swait.ge @!p0 [sflag:s8], $0x0  }
0x24: {  	s3 =	sadd.s32 $0x88, s3;
	s6 =	simm.s32 @!p1 $0x1082;
	[sflag:s4] =	ssyncset.s32 $0xFFFFF086  }
0x25: {  	[simem:s6], [sflag:s4] =	dma.local [hbm:s3], $0xF7A  }
0x26: {  	[smem:$0x3F9C] =	sst s1;
	(tag) =	ssettag s2;
	_ =	strace s9  }
0x27: {  	s1 =	sld [smem:$0x3FAC]  }
0x28: {  	s2 =	sld [smem:$0x3FAD]  }
0x29: {  	s4 =	sld [smem:$0x3FAF]  }
0x2a: {  	p0 =	seq.s32 s5, $0x0;
	s5 =	sld [smem:$0x3FB0]  }
0x2b: {  	s6 =	sld [smem:$0x3FB1]  }
0x2c: {  	s7 =	sld [smem:$0x3FB2]  }
0x2d: {  	s3 =	simm.s32 $0x108;
	s8 =	sld [smem:$0x3FB3]  }
0x2e: {  	s3 =	simm.s32 @!p0 $0x1082;
	s9 =	sld [smem:$0x3FB4]  }
0x2f: {  	lr =	sadd.s32 s0, s3;
	s0 =	sld [smem:$0x3FAB]  }
0x30: {  	s3 =	sld [smem:$0x3FAE]  }
0x31: {  	[smem:$0x3FB7] =	sst s10  }
0x32: {  	s10 =	sld [smem:$0x3FB5];
	_ =	sdelay $0x3  }
0x33: {  	p0 =	seq.s32 s10, $0x1;
	s10 =	sld [smem:$0x3FB7];
	_ =	sdelay $0x3  }
0x34: {  	[smem:$0x3FB7] =	sst s10  }
0x35: {  	s10 =	sld [smem:$0x3FB6];
	_ =	sdelay $0x3  }
0x36: {  	p1 =	seq.s32 s10, $0x1;
	s10 =	sld [smem:$0x3FB7];
	_ =	sdelay $0x3  }
0x37: {  	[smem:$0x3FB7] =	sst s10  }
0x38: {  	s10 =	sld [smem:$0x3FB8]  }
0x39: {  	_ = 	snop;
	(pc) =	sbr.ind lr, $3  }
0x3a: {  	_ = 	snop  }
0x3b: {  	_ = 	snop  }
0x3c: {  	p2 =	seq.s32 s10, $0x1;
	s10 =	sld [smem:$0x3FB7]  }
0x3d: {  	_ =	shalt  }
0x3e: {  	_ =	shalt  }
0x3f: {  	_ =	shalt  }
0x40: {  	_ =	shalt  }
0x41: {  	_ =	shalt  }
0x42: {  	_ =	shalt  }
0x43: {  	_ =	shalt  }
0x44: {  	_ =	shalt  }
0x45: {  	_ =	shalt  }
0x46: {  	_ =	shalt  }
0x47: {  	_ =	shalt  }
0x48: {  	_ =	shalt  }
0x49: {  	_ =	shalt  }
0x4a: {  	_ =	shalt  }
0x4b: {  	_ =	shalt  }
0x4c: {  	_ =	shalt  }
0x4d: {  	_ =	shalt  }
0x4e: {  	_ =	shalt  }
0x4f: {  	_ =	shalt  }
0x50: {  	_ =	shalt  }
0x51: {  	_ =	shalt  }
0x52: {  	_ =	shalt  }
0x53: {  	_ =	shalt  }
0x54: {  	_ =	shalt  }
0x55: {  	_ =	shalt  }
0x56: {  	_ =	shalt  }
0x57: {  	_ =	shalt  }
0x58: {  	_ =	shalt  }
0x59: {  	_ =	shalt  }
0x5a: {  	_ =	shalt  }
0x5b: {  	_ =	shalt  }
0x5c: {  	_ =	shalt  }
0x5d: {  	_ =	shalt  }
0x5e: {  	_ =	shalt  }
0x5f: {  	_ =	shalt  }
0x60: {  	_ =	shalt  }
0x61: {  	_ =	shalt  }
0x62: {  	_ =	shalt  }
0x63: {  	_ =	shalt  }
0x64: {  	_ =	shalt  }
0x65: {  	_ =	shalt  }
0x66: {  	_ =	shalt  }
0x67: {  	_ =	shalt  }
0x68: {  	_ =	shalt  }
0x69: {  	_ =	shalt  }
0x6a: {  	_ =	shalt  }
0x6b: {  	_ =	shalt  }
0x6c: {  	_ =	shalt  }
0x6d: {  	_ =	shalt  }
0x6e: {  	_ =	shalt  }
0x6f: {  	_ =	shalt  }
0x70: {  	_ =	shalt  }
0x71: {  	_ =	shalt  }
0x72: {  	_ =	shalt  }
0x73: {  	_ =	shalt  }
0x74: {  	_ =	shalt  }
0x75: {  	_ =	shalt  }
0x76: {  	_ =	shalt  }
0x77: {  	_ =	shalt  }
0x78: {  	_ =	shalt  }
0x79: {  	_ =	shalt  }
0x7a: {  	_ =	shalt  }
0x7b: {  	_ =	shalt  }
0x7c: {  	_ =	shalt  }
0x7d: {  	_ =	shalt  }
0x7e: {  	_ =	shalt  }
0x7f: {  	_ =	shalt  }
0x80: {  	_ =	shalt  }
0x81: {  	_ =	shalt  }
0x82: {  	_ =	shalt  }
0x83: {  	_ =	shalt  }
0x84: {  	_ =	shalt  }
0x85: {  	_ =	shalt  }
0x86: {  	_ =	shalt  }
0x87: {  	_ =	shalt  }
.Lfunc_end0:
.L_simem_size_0:
called_computation_lowered:
.L_overlay_start_0:
0x88: {  	s2 =	sld [smem:$0x3FD9]  }
0x89: {  	s3 =	sld [smem:$0x3FFE];
	_ =	sdelay $0x1  }
0x8a: {  	s1 =	srdreg.scid  }
0x8b: {  	s0 =	sand.u32 $0x1, s1  }
0x8c: {  	s14 =	sshll.u32 s0, $0xA;
	s2 =	sadd.s32 s3, s2  }
0x8d: {  	s2 =	sadd.s32 s2, s14  }
0x8e: {  	[smem:$0x3FC3] =	sst s2  }
0x8f: {  	_ = 	snop  }
0x90: {  	s2 =	sld [smem:$0x3FD0];
	_ =	sdelay $0x2  }
0x91: {  	s4 =	simm.s32 $0xA;
	s5 =	simm.s32 $0x10;
	s15 =	sld [smem:$0x3FC8]  }
0x92: {  	[smem:s5], [sflag:s4] =	dma.local [hbm:s2], $0x1  }
0x93: {  	_ =	swait.eq [sflag:s4], $0x1  }
0x94: {  	[sflag:s4] =	ssyncset.done $0x0  }
0x95: {  	[sflag:s4] =	ssyncadd.s32 $0xFFFFFFFF  }
0x96: {  	s16 =	sld [smem:$0x10];
	(tm) =	ssettm $0x1  }
0x97: {  	s17 =	sld [smem:$0x3FFB];
	_ =	sdelay $0x3  }
0x98: {  	_ =	strace s17  }
0x99: {  	s4 =	sld [smem:$0x3FFC];
	_ =	sdelay $0x3  }
0x9a: {  	_ =	strace s4  }
0x9b: {  	s4 =	sld [smem:$0x3FFD];
	_ =	sdelay $0x3  }
0x9c: {  	_ =	strace s4  }
0x9d: {  	_ =	strace $0x8FFFFFFF  }
0x9e: {  	s18 =	sld [smem:$0x3FDB];
	_ =	sdelay $0x1  }
0x9f: {  	s19 =	simm.s32 $_scs_section_size  }
0xa0: {  	s6 =	simm.s32 $_size__tile_overlayer_lowered;
	s7 =	simm.s32 $_tile_overlayer_lowered  }
0xa1: {  	s22 =	simm.s32 $0x1BFF;
	s21 =	sshll.u32 s7, $0x1;
	s4 =	sadd.s32 s19, s18  }
0xa2: {  	s8 =	simm.s32 $0x0;
	s20 =	sshll.u32 s6, $0x1;
	s6 =	sadd.s32 s21, s4  }
0xa3: {  	[timem:s8], [sflag:s22] =	dma.local [hbm:s6], s20  }
0xa4: {  	_ =	swait.ge [sflag:s22], s20  }
0xa5: {  	s5 =	ssub.s32 $0x0, s20;
	[sflag:s22] =	ssyncset.done $0x0  }
0xa6: {  	[sflag:s22] =	ssyncadd.s32 s5;
	_ =	sdelay $0x1  }
0xa7: {  	s23 =	simm.s32 $0x1B8B  }
0xa8: {  	_ =	swait.ge [sflag:s23], $0x1  }
0xa9: {  	[sflag:s23] =	ssyncset.done $0x0  }
0xaa: {  	s25 =	simm.s32 $0x1B8E;
	s24 =	sld [smem:$0x3FFE];
	[sflag:s23] =	ssyncadd.s32 $0xFFFFFFFF  }
0xab: {  	s26 =	simm.s32 $execute0_lowered;
	[smem:$0x3FD2] =	sst s25  }
0xac: {  	s6 =	sshll.u32 s26, $0x1;
	_ =	strace $0x80000046;
	[dreg:$0x1] =	wrdreg $0xFFFFFFFF  }
0xad: {  	s28 =	simm.s32 $_size_execute0_lowered;
	s4 =	sadd.s32 s4, s6;
	[dreg:$0x0] =	wrdreg $0x0  }
0xae: {  	s6 =	sshll.u32 s28, $0x1;
	[dreg:$0x2] =	wrdreg s4  }
0xaf: {  	[dreg:$0x3] =	wrdreg s6  }
0xb0: {  	[dreg:$0x4] =	wrdreg $0xC0  }
0xb1: {  	_ =	task [dreg:s8], $0x5FFFF  }
0xb2: {  	[dreg:$0x1] =	wrdreg $0xFFFFFFFF  }
0xb3: {  	[dreg:$0x0] =	wrdreg $0x60  }
0xb4: {  	[dreg:$0x2] =	wrdreg s15  }
0xb5: {  	[dreg:$0x3] =	wrdreg s24  }
0xb6: {  	[dreg:$0x4] =	wrdreg s16  }
0xb7: {  	[dreg:$0x5] =	wrdreg $0x9  }
0xb8: {  	_ =	task.clear_ibuf [dreg:s8], $0x6FFFF;
	_ =	strace $0x90000046  }
0xb9: {  	s29 =	simm.s32 $0x9;
	_ =	strace $0x80000048  }
0xba: {  	_ =	swait.ge [sflag:s29], $0x1  }
0xbb: {  	[sflag:s29] =	ssyncadd.s32 $0xFFFFFFFF  }
0xbc: {  	_ =	strace $0x90000048  }
0xbd: {  	_ =	sfence  }
0xbe: {  	s30 =	sld [smem:$0x0];
	_ =	sdelay $0x2  }
0xbf: {  	s31 =	sshll.u32 s1, $0xD;
	s1 =	sshrl.u32 s1, $0x2  }
0xc0: {  	s3 =	sand.u32 $0x4000, s31;
	s1 =	sadd.s32 s1, s30  }
0xc1: {  	s0 =	sor.u32 s3, s0;
	s1 =	sshll.u32 s1, $0x11  }
0xc2: {  	s0 =	sor.u32 s1, s0  }
0xc3: {  	s0 =	sadd.s32 $0x8F2B, s0  }
0xc4: {  	[sflag:s0] =	ssyncadd.remote.s32 $0x1  }
0xc5: {  	_ =	sfence.sel $0xFFFF  }
0xc6: {  	[dreg:$0x0] =	wrdreg $0xFFFFFFFF;
	(pc) =	sbr.abs _section_cstart, $3  }
0xc7: {  	[dreg:$0x1] =	wrdreg $0xFFFFFFFF  }
0xc8: {  	_ =	task.clear_ibuf [dreg:s8], $0x2FFFF;
	_ =	strace $0x9FFFFFFF  }
0xc9: {  	(tm) =	ssettm $0x7FFFFFFF  }
tec
execute0_lowered:
.L_overlay_start_1:
0x0: {  	(tag) =	ssettag $0x1  }
0x1: {  	s0 =	rddreg [dreg:$0x0]  }
0x2: {  	s1 =	rddreg [dreg:$0x1]  }
0x3: {  	s2 =	rddreg [dreg:$0x2]  }
0x4: {  	s3 =	srdreg.scid;
	s5 =	simm.s32 $0x0;
	s4 =	stileid.u32  }
0x5: {  	s11 =	simm.s32 $0x6;
	s12 =	simm.s32 $0x80;
	s13 =	simm.s32 $0x100  }
0x6: {  	s14 =	simm.s32 $0x5;
	s15 =	simm.s32 $0x400;
	s17 =	simm.s32 $0x8100  }
0x7: {  	s18 =	simm.s32 $0x1;
	s19 =	simm.s32 $0xC100;
	s20 =	simm.s32 $0x2  }
0x8: {  	s21 =	simm.s32 $0x10100;
	s22 =	simm.s32 $0x3;
	s23 =	simm.s32 $0x4  }
0x9: {  	s24 =	simm.s32 $0x0;
	s3 =	sand.u32 $0x1, s3;
	[smem:$0x7FF] =	sst s5  }
0xa: {  	s4 =	sshll.u32 s4, $0x8;
	s6 =	sadd.s32 $0x187400, s1;
	s28 =	sshll.u32 s3, $0x7  }
.Ltmp0:
0xb: {  	_ =	strace $0x80000047;
	[dreg:$0x4] =	wrdreg s6;
	(pc) =	sbr.rel .LBB2_1-.Ltmp0, $4  }
0xc: {  	s6 =	sadd.s32 $0x24AA00, s1;
	s29 =	ssub.s32 $0x2, s3;
	s5 =	sor.u32 s28, s4  }
0xd: {  	s31 =	sshrl.u32 s29, $0x1;
	s30 =	sshll.u32 s5, $0xB;
	s8 =	sshrl.u32 s5, $0x3  }
0xe: {  	s1 =	ssub.s32 s29, s31;
	s7 =	sadd.s32 s2, s30;
	s0 =	sadd.s32 s0, s8  }
0xf: {  	s10 =	smax.u32 s1, $0x1;
	[dreg:$0x5] =	wrdreg s0;
	s9 =	sadd.s32 $0x10, s7  }
.LBB2_8:
0x10: {  	s24 =	sadd.s32 $0x1, s24  }
0x11: {  	_ =	swait.ge [sflag:s22], $0x4000;
	p0 =	sne.s32 s24, s10  }
.Ltmp1:
0x12: {  	[sflag:s22] =	ssyncset.done $0x0;
	(pc) =	sbr.rel @!p0 .LBB2_9-.Ltmp1, $4  }
0x13: {  	[sflag:s22] =	ssyncadd.s32 $0xFFFFC000  }
0x14: {  	_ =	swait.ge [sflag:s23], $0x4000  }
0x15: {  	[sflag:s23] =	ssyncset.done $0x0  }
0x16: {  	[sflag:s23] =	ssyncadd.s32 $0xFFFFC000  }
.LBB2_1:
0x17: {  	s0 =	simm.s32 $0x0;
	s1 =	rddreg [dreg:$0x5]  }
0x18: {  	[tilespmem:s0], [sflag:$0x6] =	stream.linear.gather [hbm4b:s1+s0], $0x80, $0x38;
	[tilespmem:$0x14100] =	vst v63  }
0x19: {  	_ =	swait.ge [sflag:s11], $0x80  }
0x1a: {  	[sflag:s11] =	ssyncset.done $0x0  }
0x1b: {  	[sflag:s11] =	ssyncadd.s32 $0xFFFFFF80  }
0x1c: {  	v0 =	vld [tilespmem:$0x0]  }
0x1d: {  	v1 =	vld [tilespmem:$0x10]  }
0x1e: {  	v2 =	vld [tilespmem:$0x20]  }
0x1f: {  	v3 =	vld [tilespmem:$0x30]  }
0x20: {  	v4 =	vld [tilespmem:$0x40]  }
0x21: {  	v5 =	vld [tilespmem:$0x50];
	v0 =	vshrl.u32 v0, $0x1  }
0x22: {  	v56 =	vld [tilespmem:$0x60];
	v55 =	vshrl.u32 v1, $0x1;
	[tilespmem:$0x80] =	vst v0  }
0x23: {  	v58 =	vld [tilespmem:$0x70];
	v57 =	vshrl.u32 v2, $0x1;
	[tilespmem:$0x90] =	vst v55  }
0x24: {  	v59 =	vshrl.u32 v3, $0x1;
	[tilespmem:$0xA0] =	vst v57  }
0x25: {  	v60 =	vshrl.u32 v4, $0x1;
	[tilespmem:$0xB0] =	vst v59  }
0x26: {  	v61 =	vshrl.u32 v5, $0x1;
	[tilespmem:$0xC0] =	vst v60  }
0x27: {  	v62 =	vshrl.u32 v56, $0x1;
	[tilespmem:$0xD0] =	vst v61  }
0x28: {  	v63 =	vshrl.u32 v58, $0x1;
	[tilespmem:$0xE0] =	vst v62  }
0x29: {  	s30 =	rddreg [dreg:$0x4];
	[tilespmem:$0xF0] =	vst v63  }
0x2a: {  	[tilespmem:s13], [sflag:$0x5] =	stream.indirect.gather [hbm4b:s30+s12], $0x80, s12, s12, $0xb8;
	[tilespmem:$0x14100] =	vst v63  }
0x2b: {  	_ =	swait.ge [sflag:s14], $0x4000  }
0x2c: {  	[sflag:s14] =	ssyncset.done $0x0  }
0x2d: {  	s31 =	simm.s32 $0x4100;
	[sflag:s14] =	ssyncadd.s32 $0xFFFFC000  }
0x2e: {  	[tilespmem:s31], [sflag:$0x1] =	stream.strided.gather [hbm4b:s7+s12], $0x4000, s15, s12, $0x38;
	[tilespmem:$0x14100] =	vst v63  }
0x2f: {  	s25 =	simm.s32 $0x0  }
0x30: {  	[tilespmem:s17], [sflag:$0x2] =	stream.strided.gather [hbm4b:s9+s12], $0x4000, s15, s12, $0x38;
	[tilespmem:$0x14100] =	vst v63  }
.LBB2_2:
0x31: {  	s26 =	sshll.u32 s25, $0x1;
	_ =	swait.ge [sflag:s18], $0x4000  }
0x32: {  	p0 =	seq.s32 s25, $0x0;
	[sflag:s18] =	ssyncset.done $0x0;
	v0 =	vmov s26  }
0x33: {  	s0 =	simm.s32 @!p0 $0x3;
	[sflag:s18] =	ssyncadd.s32 $0xFFFFC000  }
0x34: {  	_ =	swait.ge @!p0 [sflag:s0], $0x4000  }
0x35: {  	[sflag:s0] =	ssyncset.done @!p0 $0x0  }
0x36: {  	s16 =	simm.s32 $0x0;
	[sflag:s0] =	ssyncadd.s32 @!p0 $0xFFFFC000  }
0x37: {  	v1 =	vld.idx.msk [tilespmem:v0+s16+$0x0], $0xffff;
	_ =	sdelay $0x2  }
0x38: {  	v7 =	vshll.u32 v0, $0x7  }
0x39: {  	s1 =	simm.s32 $0x1;
	v0 =	vor.u32 s16, v7  }
0x3a: {  	v2 =	vor.u32 s1, v7;
	v0 =	vbroadcast v0, $0x0;
	v1 =	vshll.u32 v1, $0x6  }
0x3b: {  	s3 =	simm.s32 $0x3;
	v8 =	vand.u32 $0x40, v1;
	v1 =	vbroadcast v2, $0x0  }
0x3c: {  	v2 =	vor.u32 s3, v7;
	v0 =	vor.u32 v8, v0  }
0x3d: {  	v2 =	vbroadcast v2, $0x0;
	v1 =	vor.u32 v8, v1  }
0x3e: {  	s4 =	simm.s32 $0x2  }
0x3f: {  	v3 =	vor.u32 s4, v7;
	v2 =	vor.u32 v8, v2  }
0x40: {  	v3 =	vbroadcast v3, $0x0  }
0x41: {  	v5 =	vld.idx.msk [tilespmem:v0+s13+$0x0], $0xffff  }
0x42: {  	s31 =	simm.s32 $0x4300;
	v0 =	vor.u32 v8, v3;
	v6 =	vld.idx.msk [tilespmem:v1+s13+$0x0], $0xffff  }
0x43: {  	v1 =	vld [tilespmem:s31+$0x100]  }
0x44: {  	v9 =	vld.idx.msk [tilespmem:v2+s13+$0x0], $0xffff  }
0x45: {  	v2 =	vld [tilespmem:s31+$0xFFFFFE00]  }
0x46: {  	v3 =	vld [tilespmem:s31+$0xFFFFFF00]  }
0x47: {  	v4 =	vld.idx.msk [tilespmem:v0+s13+$0x0], $0xffff  }
0x48: {  	v0 =	vld [tilespmem:s31+$0x0]  }
0x49: {  	v1 =	vsub.f32 v1, v9  }
0x4a: {  	s30 =	simm.s32 $0xC300;
	v2 =	vsub.f32 v2, v5  }
0x4b: {  	v3 =	vsub.f32 v3, v6;
	[tilespmem:s30+$0x100] =	vst v1  }
0x4c: {  	[tilespmem:s30+$0xFFFFFE00] =	vst v2;
	v1 =	vld [tilespmem:s31+$0x110]  }
0x4d: {  	[tilespmem:s30+$0xFFFFFF00] =	vst v3;
	v0 =	vsub.f32 v0, v4;
	v2 =	vld [tilespmem:s31+$0xFFFFFE10]  }
0x4e: {  	v3 =	vld [tilespmem:s31+$0xFFFFFF10]  }
0x4f: {  	[tilespmem:s30+$0x0] =	vst v0  }
0x50: {  	v0 =	vld [tilespmem:s31+$0x10]  }
0x51: {  	v1 =	vsub.f32 v1, v9  }
0x52: {  	v2 =	vsub.f32 v2, v5  }
0x53: {  	v3 =	vsub.f32 v3, v6;
	[tilespmem:s30+$0x110] =	vst v1  }
0x54: {  	[tilespmem:s30+$0xFFFFFE10] =	vst v2;
	v1 =	vld [tilespmem:s31+$0x120]  }
0x55: {  	[tilespmem:s30+$0xFFFFFF10] =	vst v3;
	v0 =	vsub.f32 v0, v4;
	v2 =	vld [tilespmem:s31+$0xFFFFFE20]  }
0x56: {  	v3 =	vld [tilespmem:s31+$0xFFFFFF20]  }
0x57: {  	[tilespmem:s30+$0x10] =	vst v0  }
0x58: {  	v0 =	vld [tilespmem:s31+$0x20]  }
0x59: {  	v1 =	vsub.f32 v1, v9  }
0x5a: {  	v2 =	vsub.f32 v2, v5  }
0x5b: {  	v3 =	vsub.f32 v3, v6;
	[tilespmem:s30+$0x120] =	vst v1  }
0x5c: {  	[tilespmem:s30+$0xFFFFFE20] =	vst v2;
	v1 =	vld [tilespmem:s31+$0x130]  }
0x5d: {  	[tilespmem:s30+$0xFFFFFF20] =	vst v3;
	v0 =	vsub.f32 v0, v4;
	v2 =	vld [tilespmem:s31+$0xFFFFFE30]  }
0x5e: {  	v3 =	vld [tilespmem:s31+$0xFFFFFF30]  }
0x5f: {  	[tilespmem:s30+$0x20] =	vst v0  }
0x60: {  	v0 =	vld [tilespmem:s31+$0x30]  }
0x61: {  	v1 =	vsub.f32 v1, v9  }
0x62: {  	v2 =	vsub.f32 v2, v5  }
0x63: {  	v3 =	vsub.f32 v3, v6;
	[tilespmem:s30+$0x130] =	vst v1  }
0x64: {  	[tilespmem:s30+$0xFFFFFE30] =	vst v2;
	v1 =	vld [tilespmem:s31+$0x140]  }
0x65: {  	[tilespmem:s30+$0xFFFFFF30] =	vst v3;
	v0 =	vsub.f32 v0, v4;
	v2 =	vld [tilespmem:s31+$0xFFFFFE40]  }
0x66: {  	v3 =	vld [tilespmem:s31+$0xFFFFFF40]  }
0x67: {  	[tilespmem:s30+$0x30] =	vst v0  }
0x68: {  	v0 =	vld [tilespmem:s31+$0x40]  }
0x69: {  	v1 =	vsub.f32 v1, v9  }
0x6a: {  	v2 =	vsub.f32 v2, v5  }
0x6b: {  	v3 =	vsub.f32 v3, v6;
	[tilespmem:s30+$0x140] =	vst v1  }
0x6c: {  	[tilespmem:s30+$0xFFFFFE40] =	vst v2;
	v1 =	vld [tilespmem:s31+$0x150]  }
0x6d: {  	[tilespmem:s30+$0xFFFFFF40] =	vst v3;
	v0 =	vsub.f32 v0, v4;
	v2 =	vld [tilespmem:s31+$0xFFFFFE50]  }
0x6e: {  	v3 =	vld [tilespmem:s31+$0xFFFFFF50]  }
0x6f: {  	[tilespmem:s30+$0x40] =	vst v0  }
0x70: {  	v0 =	vld [tilespmem:s31+$0x50]  }
0x71: {  	v1 =	vsub.f32 v1, v9  }
0x72: {  	v2 =	vsub.f32 v2, v5  }
0x73: {  	v3 =	vsub.f32 v3, v6;
	[tilespmem:s30+$0x150] =	vst v1  }
0x74: {  	[tilespmem:s30+$0xFFFFFE50] =	vst v2;
	v1 =	vld [tilespmem:s31+$0x160]  }
0x75: {  	[tilespmem:s30+$0xFFFFFF50] =	vst v3;
	v0 =	vsub.f32 v0, v4;
	v2 =	vld [tilespmem:s31+$0xFFFFFE60]  }
0x76: {  	v3 =	vld [tilespmem:s31+$0xFFFFFF60]  }
0x77: {  	[tilespmem:s30+$0x50] =	vst v0  }
0x78: {  	s8 =	simm.s32 $0x4;
	v0 =	vld [tilespmem:s31+$0x60]  }
0x79: {  	v10 =	vor.u32 s8, v7;
	s16 =	simm.s32 $0x5;
	v1 =	vsub.f32 v1, v9  }
0x7a: {  	s1 =	simm.s32 $0x6;
	v10 =	vbroadcast v10, $0x0;
	v11 =	vor.u32 s16, v7;
	v2 =	vsub.f32 v2, v5  }
0x7b: {  	v12 =	vor.u32 s1, v7;
	v11 =	vbroadcast v11, $0x0;
	v3 =	vsub.f32 v3, v6;
	[tilespmem:s30+$0x160] =	vst v1  }
0x7c: {  	v1 =	vor.u32 v8, v10;
	v10 =	vbroadcast v12, $0x0;
	[tilespmem:s30+$0xFFFFFE60] =	vst v2;
	v2 =	vld [tilespmem:s31+$0x170]  }
0x7d: {  	v11 =	vor.u32 v8, v11;
	[tilespmem:s30+$0xFFFFFF60] =	vst v3;
	v0 =	vsub.f32 v0, v4;
	v12 =	vld [tilespmem:s31+$0xFFFFFE70]  }
0x7e: {  	s1 =	simm.s32 $0x7;
	v3 =	vor.u32 v8, v10;
	v10 =	vld [tilespmem:s31+$0xFFFFFF70]  }
0x7f: {  	[tilespmem:s30+$0x60] =	vst v0;
	v0 =	vor.u32 s1, v7  }
0x80: {  	v13 =	vld [tilespmem:s31+$0x70];
	v14 =	vbroadcast v0, $0x0  }
0x81: {  	v0 =	vld.idx.msk [tilespmem:v1+s13+$0x0], $0xffff;
	v15 =	vsub.f32 v2, v9  }
0x82: {  	v2 =	vld.idx.msk [tilespmem:v11+s13+$0x0], $0xffff;
	v11 =	vor.u32 v8, v14;
	v12 =	vsub.f32 v12, v5  }
0x83: {  	v1 =	vld.idx.msk [tilespmem:v3+s13+$0x0], $0xffff;
	v3 =	vsub.f32 v10, v6;
	[tilespmem:s30+$0x170] =	vst v15  }
0x84: {  	[tilespmem:s30+$0xFFFFFE70] =	vst v12;
	v10 =	vld [tilespmem:s31+$0x180]  }
0x85: {  	v12 =	vld [tilespmem:s31+$0xFFFFFE80];
	[tilespmem:s30+$0xFFFFFF70] =	vst v3  }
0x86: {  	v14 =	vld [tilespmem:s31+$0xFFFFFF80]  }
0x87: {  	s29 =	simm.s32 $0x4700;
	v3 =	vld.idx.msk [tilespmem:v11+s13+$0x0], $0xffff  }
0x88: {  	v11 =	vld [tilespmem:s29+$0x100]  }
0x89: {  	v15 =	vld [tilespmem:s29+$0xFFFFFE00];
	v10 =	vsub.f32 v10, v9  }
0x8a: {  	v16 =	vld [tilespmem:s29+$0xFFFFFF00];
	v13 =	vsub.f32 v13, v4  }
0x8b: {  	v17 =	vld [tilespmem:s29+$0x0];
	v14 =	vsub.f32 v14, v6;
	[tilespmem:s30+$0x180] =	vst v10  }
0x8c: {  	[tilespmem:s30+$0x70] =	vst v13;
	v10 =	vsub.f32 v12, v5;
	v12 =	vld [tilespmem:s31+$0x190]  }
0x8d: {  	v13 =	vld [tilespmem:s31+$0x80];
	v11 =	vsub.f32 v11, v3;
	[tilespmem:s30+$0xFFFFFF80] =	vst v14  }
0x8e: {  	s28 =	simm.s32 $0xC700;
	[tilespmem:s30+$0xFFFFFE80] =	vst v10;
	v10 =	vsub.f32 v15, v0;
	v14 =	vld [tilespmem:s31+$0xFFFFFF90]  }
0x8f: {  	v15 =	vsub.f32 v16, v2;
	[tilespmem:s28+$0x100] =	vst v11;
	v11 =	vld [tilespmem:s31+$0xFFFFFE90]  }
0x90: {  	v16 =	vld [tilespmem:s29+$0x110];
	[tilespmem:s28+$0xFFFFFE00] =	vst v10;
	v10 =	vsub.f32 v17, v1  }
0x91: {  	[tilespmem:s28+$0xFFFFFF00] =	vst v15;
	v17 =	vld [tilespmem:s29+$0xFFFFFE10];
	v12 =	vsub.f32 v12, v9  }
0x92: {  	v15 =	vld [tilespmem:s29+$0xFFFFFF10];
	[tilespmem:s28+$0x0] =	vst v10;
	v10 =	vsub.f32 v13, v4  }
0x93: {  	v13 =	vld [tilespmem:s29+$0x10];
	v14 =	vsub.f32 v14, v6;
	[tilespmem:s30+$0x190] =	vst v12  }
0x94: {  	v11 =	vsub.f32 v11, v5;
	[tilespmem:s30+$0x80] =	vst v10;
	v10 =	vld [tilespmem:s31+$0x1A0]  }
0x95: {  	v12 =	vsub.f32 v16, v3;
	[tilespmem:s30+$0xFFFFFF90] =	vst v14;
	v14 =	vld [tilespmem:s31+$0x90]  }
0x96: {  	v16 =	vsub.f32 v17, v0;
	[tilespmem:s30+$0xFFFFFE90] =	vst v11;
	v11 =	vld [tilespmem:s31+$0xFFFFFFA0]  }
0x97: {  	v15 =	vsub.f32 v15, v2;
	[tilespmem:s28+$0x110] =	vst v12;
	v12 =	vld [tilespmem:s31+$0xFFFFFEA0]  }
0x98: {  	[tilespmem:s28+$0xFFFFFE10] =	vst v16;
	v13 =	vsub.f32 v13, v1;
	v16 =	vld [tilespmem:s29+$0x120]  }
0x99: {  	[tilespmem:s28+$0xFFFFFF10] =	vst v15;
	v17 =	vld [tilespmem:s29+$0xFFFFFE20];
	v10 =	vsub.f32 v10, v9  }
0x9a: {  	v15 =	vld [tilespmem:s29+$0xFFFFFF20];
	[tilespmem:s28+$0x10] =	vst v13;
	v13 =	vsub.f32 v14, v4  }
0x9b: {  	v14 =	vld [tilespmem:s29+$0x20];
	v11 =	vsub.f32 v11, v6;
	[tilespmem:s30+$0x1A0] =	vst v10  }
0x9c: {  	v10 =	vsub.f32 v12, v5;
	[tilespmem:s30+$0x90] =	vst v13;
	v12 =	vld [tilespmem:s31+$0x1B0]  }
0x9d: {  	v13 =	vsub.f32 v16, v3;
	[tilespmem:s30+$0xFFFFFFA0] =	vst v11;
	v11 =	vld [tilespmem:s31+$0xA0]  }
0x9e: {  	v16 =	vsub.f32 v17, v0;
	[tilespmem:s30+$0xFFFFFEA0] =	vst v10;
	v10 =	vld [tilespmem:s31+$0xFFFFFFB0]  }
0x9f: {  	v15 =	vsub.f32 v15, v2;
	[tilespmem:s28+$0x120] =	vst v13;
	v13 =	vld [tilespmem:s31+$0xFFFFFEB0]  }
0xa0: {  	[tilespmem:s28+$0xFFFFFE20] =	vst v16;
	v14 =	vsub.f32 v14, v1;
	v16 =	vld [tilespmem:s29+$0x130]  }
0xa1: {  	[tilespmem:s28+$0xFFFFFF20] =	vst v15;
	v17 =	vld [tilespmem:s29+$0xFFFFFE30];
	v12 =	vsub.f32 v12, v9  }
0xa2: {  	v15 =	vld [tilespmem:s29+$0xFFFFFF30];
	[tilespmem:s28+$0x20] =	vst v14;
	v11 =	vsub.f32 v11, v4  }
0xa3: {  	v14 =	vld [tilespmem:s29+$0x30];
	v10 =	vsub.f32 v10, v6;
	[tilespmem:s30+$0x1B0] =	vst v12  }
0xa4: {  	v12 =	vsub.f32 v13, v5;
	[tilespmem:s30+$0xA0] =	vst v11;
	v11 =	vld [tilespmem:s31+$0x1C0]  }
0xa5: {  	v13 =	vsub.f32 v16, v3;
	[tilespmem:s30+$0xFFFFFFB0] =	vst v10;
	v10 =	vld [tilespmem:s31+$0xB0]  }
0xa6: {  	v16 =	vsub.f32 v17, v0;
	[tilespmem:s30+$0xFFFFFEB0] =	vst v12;
	v12 =	vld [tilespmem:s31+$0xFFFFFFC0]  }
0xa7: {  	v15 =	vsub.f32 v15, v2;
	[tilespmem:s28+$0x130] =	vst v13;
	v13 =	vld [tilespmem:s31+$0xFFFFFEC0]  }
0xa8: {  	[tilespmem:s28+$0xFFFFFE30] =	vst v16;
	v14 =	vsub.f32 v14, v1;
	v16 =	vld [tilespmem:s29+$0x140]  }
0xa9: {  	[tilespmem:s28+$0xFFFFFF30] =	vst v15;
	v17 =	vld [tilespmem:s29+$0xFFFFFE40];
	v11 =	vsub.f32 v11, v9  }
0xaa: {  	v15 =	vld [tilespmem:s29+$0xFFFFFF40];
	[tilespmem:s28+$0x30] =	vst v14;
	v10 =	vsub.f32 v10, v4  }
0xab: {  	v14 =	vld [tilespmem:s29+$0x40];
	v12 =	vsub.f32 v12, v6;
	[tilespmem:s30+$0x1C0] =	vst v11  }
0xac: {  	v11 =	vsub.f32 v13, v5;
	[tilespmem:s30+$0xB0] =	vst v10;
	v10 =	vld [tilespmem:s31+$0x1D0]  }
0xad: {  	v13 =	vsub.f32 v16, v3;
	[tilespmem:s30+$0xFFFFFFC0] =	vst v12;
	v12 =	vld [tilespmem:s31+$0xC0]  }
0xae: {  	v16 =	vsub.f32 v17, v0;
	[tilespmem:s30+$0xFFFFFEC0] =	vst v11;
	v11 =	vld [tilespmem:s31+$0xFFFFFFD0]  }
0xaf: {  	v15 =	vsub.f32 v15, v2;
	[tilespmem:s28+$0x140] =	vst v13;
	v13 =	vld [tilespmem:s31+$0xFFFFFED0]  }
0xb0: {  	[tilespmem:s28+$0xFFFFFE40] =	vst v16;
	v14 =	vsub.f32 v14, v1;
	v16 =	vld [tilespmem:s29+$0x150]  }
0xb1: {  	[tilespmem:s28+$0xFFFFFF40] =	vst v15;
	v17 =	vld [tilespmem:s29+$0xFFFFFE50];
	v10 =	vsub.f32 v10, v9  }
0xb2: {  	v15 =	vld [tilespmem:s29+$0xFFFFFF50];
	[tilespmem:s28+$0x40] =	vst v14;
	v12 =	vsub.f32 v12, v4  }
0xb3: {  	v14 =	vld [tilespmem:s29+$0x50];
	v11 =	vsub.f32 v11, v6;
	[tilespmem:s30+$0x1D0] =	vst v10  }
0xb4: {  	v10 =	vsub.f32 v13, v5;
	[tilespmem:s30+$0xC0] =	vst v12;
	v12 =	vld [tilespmem:s31+$0x1E0]  }
0xb5: {  	v13 =	vsub.f32 v16, v3;
	[tilespmem:s30+$0xFFFFFFD0] =	vst v11;
	v11 =	vld [tilespmem:s31+$0xD0]  }
0xb6: {  	v16 =	vsub.f32 v17, v0;
	[tilespmem:s30+$0xFFFFFED0] =	vst v10;
	v10 =	vld [tilespmem:s31+$0xFFFFFFE0]  }
0xb7: {  	v15 =	vsub.f32 v15, v2;
	[tilespmem:s28+$0x150] =	vst v13;
	v13 =	vld [tilespmem:s31+$0xFFFFFEE0]  }
0xb8: {  	[tilespmem:s28+$0xFFFFFE50] =	vst v16;
	v14 =	vsub.f32 v14, v1;
	v16 =	vld [tilespmem:s29+$0x160]  }
0xb9: {  	[tilespmem:s28+$0xFFFFFF50] =	vst v15;
	v17 =	vld [tilespmem:s29+$0xFFFFFE60];
	v12 =	vsub.f32 v12, v9  }
0xba: {  	v15 =	vld [tilespmem:s29+$0xFFFFFF60];
	[tilespmem:s28+$0x50] =	vst v14;
	v11 =	vsub.f32 v11, v4  }
0xbb: {  	s3 =	simm.s32 $0x8;
	v18 =	vld [tilespmem:s29+$0x60];
	v10 =	vsub.f32 v10, v6;
	[tilespmem:s30+$0x1E0] =	vst v12  }
0xbc: {  	v12 =	vsub.f32 v13, v5;
	[tilespmem:s30+$0xD0] =	vst v11;
	v11 =	vor.u32 s3, v7;
	v13 =	vld [tilespmem:s31+$0x1F0]  }
0xbd: {  	s4 =	simm.s32 $0x9;
	s8 =	simm.s32 $0xA;
	v14 =	vsub.f32 v16, v3;
	[tilespmem:s30+$0xFFFFFFE0] =	vst v10;
	v16 =	vld [tilespmem:s31+$0xE0];
	v10 =	vbroadcast v11, $0x0  }
0xbe: {  	v19 =	vor.u32 s8, v7;
	v11 =	vor.u32 s4, v7;
	v17 =	vsub.f32 v17, v0;
	[tilespmem:s30+$0xFFFFFEE0] =	vst v12;
	v12 =	vld [tilespmem:s31+$0xFFFFFFF0]  }
0xbf: {  	s0 =	sor.u32 s5, s26;
	v11 =	vbroadcast v11, $0x0;
	v20 =	vsub.f32 v15, v2;
	[tilespmem:s28+$0x160] =	vst v14;
	v14 =	vld [tilespmem:s31+$0xFFFFFEF0];
	v10 =	vor.u32 v8, v10  }
0xc0: {  	v19 =	vbroadcast v19, $0x0;
	s16 =	sshll.u32 s0, $0xB;
	[tilespmem:s28+$0xFFFFFE60] =	vst v17;
	v21 =	vsub.f32 v18, v1;
	v15 =	vld [tilespmem:s29+$0x170]  }
0xc1: {  	s1 =	sand.u32 $0x7FC000, s16;
	s3 =	sshll.u32 s25, $0x5;
	v18 =	vor.u32 v8, v11;
	[tilespmem:s28+$0xFFFFFF60] =	vst v20;
	v11 =	vld [tilespmem:s29+$0xFFFFFE70];
	v17 =	vsub.f32 v13, v9  }
0xc2: {  	v19 =	vor.u32 v8, v19;
	s16 =	sand.u32 $0x60, s3;
	s4 =	simm.s32 $0xB;
	s3 =	simm.s32 $0xC;
	v13 =	vld [tilespmem:s29+$0xFFFFFF70];
	[tilespmem:s28+$0x60] =	vst v21;
	v16 =	vsub.f32 v16, v4  }
.LBB2_3:
0xc3: {  	p1 =	slt.u32 s3, $0x3C;
	v9 =	vor.u32 s4, v7;
	v20 =	vld [tilespmem:s29+$0x70];
	v12 =	vsub.f32 v12, v6;
	[tilespmem:s30+$0x1F0] =	vst v17;
	v6 =	vmov v2  }
0xc4: {  	v9 =	vbroadcast v9, $0x0;
	v14 =	vsub.f32 v14, v5;
	[tilespmem:s30+$0xE0] =	vst v16;
	v5 =	vmov v0;
	v0 =	vld.idx.msk [tilespmem:v10+s13+$0x0], $0xffff  }
0xc5: {  	v10 =	vsub.f32 v15, v3;
	[tilespmem:s30+$0xFFFFFFF0] =	vst v12;
	v12 =	vld [tilespmem:s31+$0xF0];
	s31 =	smov.u32 s29  }
0xc6: {  	v2 =	vld.idx.msk [tilespmem:v18+s13+$0x0], $0xffff;
	v9 =	vor.u32 v8, v9;
	v11 =	vsub.f32 v11, v5;
	[tilespmem:s30+$0xFFFFFEF0] =	vst v14  }
0xc7: {  	v14 =	vld.idx.msk [tilespmem:v19+s13+$0x0], $0xffff;
	v13 =	vsub.f32 v13, v6;
	[tilespmem:s28+$0x170] =	vst v10  }
0xc8: {  	[tilespmem:s28+$0xFFFFFE70] =	vst v11;
	v10 =	vsub.f32 v20, v1;
	v11 =	vld [tilespmem:s29+$0x180]  }
0xc9: {  	v15 =	vld [tilespmem:s29+$0xFFFFFE80];
	[tilespmem:s28+$0xFFFFFF70] =	vst v13  }
0xca: {  	v13 =	vld [tilespmem:s29+$0xFFFFFF80];
	[tilespmem:s28+$0x70] =	vst v10;
	v10 =	vsub.f32 v12, v4;
	v4 =	vmov v1  }
0xcb: {  	s29 =	sadd.s32 $0x400, s29;
	v9 =	vld.idx.msk [tilespmem:v9+s13+$0x0], $0xffff  }
0xcc: {  	v12 =	vld [tilespmem:s29+$0x100];
	[tilespmem:s30+$0xF0] =	vst v10;
	s30 =	smov.u32 s28  }
0xcd: {  	v1 =	vmov v14;
	v10 =	vld [tilespmem:s29+$0xFFFFFE00];
	v11 =	vsub.f32 v11, v3  }
0xce: {  	v14 =	vld [tilespmem:s29+$0xFFFFFF00];
	v15 =	vsub.f32 v15, v5  }
0xcf: {  	v16 =	vld [tilespmem:s29+$0x0];
	v13 =	vsub.f32 v13, v6;
	[tilespmem:s28+$0x180] =	vst v11  }
0xd0: {  	[tilespmem:s28+$0xFFFFFE80] =	vst v15;
	v11 =	vld [tilespmem:s31+$0x190]  }
0xd1: {  	v12 =	vsub.f32 v12, v9;
	[tilespmem:s28+$0xFFFFFF80] =	vst v13;
	v13 =	vld [tilespmem:s31+$0x80]  }
0xd2: {  	s28 =	sadd.s32 $0x400, s28;
	v10 =	vsub.f32 v10, v0;
	v15 =	vld [tilespmem:s31+$0xFFFFFF90]  }
0xd3: {  	v14 =	vsub.f32 v14, v2;
	[tilespmem:s28+$0x100] =	vst v12;
	v12 =	vld [tilespmem:s31+$0xFFFFFE90]  }
0xd4: {  	[tilespmem:s28+$0xFFFFFE00] =	vst v10;
	v10 =	vsub.f32 v16, v1;
	v16 =	vld [tilespmem:s29+$0x110]  }
0xd5: {  	v17 =	vld [tilespmem:s29+$0xFFFFFE10];
	[tilespmem:s28+$0xFFFFFF00] =	vst v14;
	v11 =	vsub.f32 v11, v3  }
0xd6: {  	v14 =	vld [tilespmem:s29+$0xFFFFFF10];
	[tilespmem:s28+$0x0] =	vst v10;
	v10 =	vsub.f32 v13, v4  }
0xd7: {  	v13 =	vld [tilespmem:s29+$0x10];
	v15 =	vsub.f32 v15, v6;
	[tilespmem:s30+$0x190] =	vst v11  }
0xd8: {  	v11 =	vsub.f32 v12, v5;
	[tilespmem:s30+$0x80] =	vst v10;
	v10 =	vld [tilespmem:s31+$0x1A0]  }
0xd9: {  	v12 =	vsub.f32 v16, v9;
	[tilespmem:s30+$0xFFFFFF90] =	vst v15;
	v15 =	vld [tilespmem:s31+$0x90]  }
0xda: {  	v16 =	vsub.f32 v17, v0;
	[tilespmem:s30+$0xFFFFFE90] =	vst v11;
	v11 =	vld [tilespmem:s31+$0xFFFFFFA0]  }
0xdb: {  	v14 =	vsub.f32 v14, v2;
	[tilespmem:s28+$0x110] =	vst v12;
	v12 =	vld [tilespmem:s31+$0xFFFFFEA0]  }
0xdc: {  	[tilespmem:s28+$0xFFFFFE10] =	vst v16;
	v13 =	vsub.f32 v13, v1;
	v16 =	vld [tilespmem:s29+$0x120]  }
0xdd: {  	v17 =	vld [tilespmem:s29+$0xFFFFFE20];
	[tilespmem:s28+$0xFFFFFF10] =	vst v14;
	v10 =	vsub.f32 v10, v3  }
0xde: {  	v14 =	vld [tilespmem:s29+$0xFFFFFF20];
	[tilespmem:s28+$0x10] =	vst v13;
	v13 =	vsub.f32 v15, v4  }
0xdf: {  	v15 =	vld [tilespmem:s29+$0x20];
	v11 =	vsub.f32 v11, v6;
	[tilespmem:s30+$0x1A0] =	vst v10  }
0xe0: {  	v10 =	vsub.f32 v12, v5;
	[tilespmem:s30+$0x90] =	vst v13;
	v12 =	vld [tilespmem:s31+$0x1B0]  }
0xe1: {  	v13 =	vsub.f32 v16, v9;
	[tilespmem:s30+$0xFFFFFFA0] =	vst v11;
	v11 =	vld [tilespmem:s31+$0xA0]  }
0xe2: {  	v16 =	vsub.f32 v17, v0;
	[tilespmem:s30+$0xFFFFFEA0] =	vst v10;
	v10 =	vld [tilespmem:s31+$0xFFFFFFB0]  }
0xe3: {  	v14 =	vsub.f32 v14, v2;
	[tilespmem:s28+$0x120] =	vst v13;
	v13 =	vld [tilespmem:s31+$0xFFFFFEB0]  }
0xe4: {  	[tilespmem:s28+$0xFFFFFE20] =	vst v16;
	v15 =	vsub.f32 v15, v1;
	v16 =	vld [tilespmem:s29+$0x130]  }
0xe5: {  	v17 =	vld [tilespmem:s29+$0xFFFFFE30];
	[tilespmem:s28+$0xFFFFFF20] =	vst v14;
	v12 =	vsub.f32 v12, v3  }
0xe6: {  	v14 =	vld [tilespmem:s29+$0xFFFFFF30];
	[tilespmem:s28+$0x20] =	vst v15;
	v11 =	vsub.f32 v11, v4  }
0xe7: {  	v15 =	vld [tilespmem:s29+$0x30];
	v10 =	vsub.f32 v10, v6;
	[tilespmem:s30+$0x1B0] =	vst v12  }
0xe8: {  	v12 =	vsub.f32 v13, v5;
	[tilespmem:s30+$0xA0] =	vst v11;
	v11 =	vld [tilespmem:s31+$0x1C0]  }
0xe9: {  	v13 =	vsub.f32 v16, v9;
	[tilespmem:s30+$0xFFFFFFB0] =	vst v10;
	v10 =	vld [tilespmem:s31+$0xB0]  }
0xea: {  	v16 =	vsub.f32 v17, v0;
	[tilespmem:s30+$0xFFFFFEB0] =	vst v12;
	v12 =	vld [tilespmem:s31+$0xFFFFFFC0]  }
0xeb: {  	v14 =	vsub.f32 v14, v2;
	[tilespmem:s28+$0x130] =	vst v13;
	v13 =	vld [tilespmem:s31+$0xFFFFFEC0]  }
0xec: {  	[tilespmem:s28+$0xFFFFFE30] =	vst v16;
	v15 =	vsub.f32 v15, v1;
	v16 =	vld [tilespmem:s29+$0x140]  }
0xed: {  	v17 =	vld [tilespmem:s29+$0xFFFFFE40];
	[tilespmem:s28+$0xFFFFFF30] =	vst v14;
	v11 =	vsub.f32 v11, v3  }
0xee: {  	v14 =	vld [tilespmem:s29+$0xFFFFFF40];
	[tilespmem:s28+$0x30] =	vst v15;
	v10 =	vsub.f32 v10, v4  }
0xef: {  	v15 =	vld [tilespmem:s29+$0x40];
	v12 =	vsub.f32 v12, v6;
	[tilespmem:s30+$0x1C0] =	vst v11  }
0xf0: {  	v11 =	vsub.f32 v13, v5;
	[tilespmem:s30+$0xB0] =	vst v10;
	v10 =	vld [tilespmem:s31+$0x1D0]  }
0xf1: {  	v13 =	vsub.f32 v16, v9;
	[tilespmem:s30+$0xFFFFFFC0] =	vst v12;
	v12 =	vld [tilespmem:s31+$0xC0]  }
0xf2: {  	v16 =	vsub.f32 v17, v0;
	[tilespmem:s30+$0xFFFFFEC0] =	vst v11;
	v11 =	vld [tilespmem:s31+$0xFFFFFFD0]  }
0xf3: {  	v14 =	vsub.f32 v14, v2;
	[tilespmem:s28+$0x140] =	vst v13;
	v13 =	vld [tilespmem:s31+$0xFFFFFED0]  }
0xf4: {  	[tilespmem:s28+$0xFFFFFE40] =	vst v16;
	v15 =	vsub.f32 v15, v1;
	v16 =	vld [tilespmem:s29+$0x150]  }
0xf5: {  	v17 =	vld [tilespmem:s29+$0xFFFFFE50];
	[tilespmem:s28+$0xFFFFFF40] =	vst v14;
	v10 =	vsub.f32 v10, v3  }
0xf6: {  	v14 =	vld [tilespmem:s29+$0xFFFFFF50];
	[tilespmem:s28+$0x40] =	vst v15;
	v12 =	vsub.f32 v12, v4  }
0xf7: {  	v15 =	vld [tilespmem:s29+$0x50];
	v11 =	vsub.f32 v11, v6;
	[tilespmem:s30+$0x1D0] =	vst v10  }
0xf8: {  	v10 =	vsub.f32 v13, v5;
	[tilespmem:s30+$0xC0] =	vst v12;
	v12 =	vld [tilespmem:s31+$0x1E0]  }
0xf9: {  	v13 =	vsub.f32 v16, v9;
	[tilespmem:s30+$0xFFFFFFD0] =	vst v11;
	v11 =	vld [tilespmem:s31+$0xD0]  }
0xfa: {  	v16 =	vsub.f32 v17, v0;
	[tilespmem:s30+$0xFFFFFED0] =	vst v10;
	v10 =	vld [tilespmem:s31+$0xFFFFFFE0]  }
0xfb: {  	v14 =	vsub.f32 v14, v2;
	[tilespmem:s28+$0x150] =	vst v13;
	v13 =	vld [tilespmem:s31+$0xFFFFFEE0]  }
0xfc: {  	[tilespmem:s28+$0xFFFFFE50] =	vst v16;
	v15 =	vsub.f32 v15, v1;
	v16 =	vld [tilespmem:s29+$0x160]  }
0xfd: {  	v17 =	vld [tilespmem:s29+$0xFFFFFE60];
	[tilespmem:s28+$0xFFFFFF50] =	vst v14;
	v12 =	vsub.f32 v12, v3  }
0xfe: {  	v14 =	vld [tilespmem:s29+$0xFFFFFF60];
	[tilespmem:s28+$0x50] =	vst v15;
	v11 =	vsub.f32 v11, v4  }
0xff: {  	v15 =	vld [tilespmem:s29+$0x60];
	v10 =	vsub.f32 v10, v6;
	[tilespmem:s30+$0x1E0] =	vst v12  }
0x100: {  	v12 =	vor.u32 s3, v7;
	v13 =	vsub.f32 v13, v5;
	[tilespmem:s30+$0xD0] =	vst v11;
	v19 =	vld [tilespmem:s31+$0x1F0]  }
0x101: {  	s4 =	sadd.s32 $0x1, s3;
	s8 =	sadd.s32 $0x2, s3;
	v11 =	vbroadcast v12, $0x0;
	v16 =	vsub.f32 v16, v9;
	[tilespmem:s30+$0xFFFFFFE0] =	vst v10;
	v20 =	vld [tilespmem:s31+$0xE0]  }
.Ltmp2:
0x102: {  	v21 =	vor.u32 s8, v7;
	v18 =	vor.u32 s4, v7;
	v17 =	vsub.f32 v17, v0;
	[tilespmem:s30+$0xFFFFFEE0] =	vst v13;
	v12 =	vld [tilespmem:s31+$0xFFFFFFF0];
	(pc) =	sbr.rel @p1 .LBB2_3-.Ltmp2, $4  }
0x103: {  	v10 =	vor.u32 v8, v11;
	v11 =	vbroadcast v18, $0x0;
	v13 =	vsub.f32 v14, v2;
	[tilespmem:s28+$0x160] =	vst v16;
	v14 =	vld [tilespmem:s31+$0xFFFFFEF0]  }
0x104: {  	v16 =	vbroadcast v21, $0x0;
	[tilespmem:s28+$0xFFFFFE60] =	vst v17;
	v21 =	vsub.f32 v15, v1;
	v15 =	vld [tilespmem:s29+$0x170]  }
0x105: {  	v18 =	vor.u32 v8, v11;
	v11 =	vld [tilespmem:s29+$0xFFFFFE70];
	[tilespmem:s28+$0xFFFFFF60] =	vst v13;
	v17 =	vsub.f32 v19, v3;
	v3 =	vmov v9  }
0x106: {  	s4 =	sadd.s32 $0x3, s3;
	s3 =	sadd.s32 $0x4, s3;
	v19 =	vor.u32 v8, v16;
	v13 =	vld [tilespmem:s29+$0xFFFFFF70];
	[tilespmem:s28+$0x60] =	vst v21;
	v16 =	vsub.f32 v20, v4  }
0x107: {  	v7 =	vor.u32 s4, v7  }
0x108: {  	v7 =	vbroadcast v7, $0x0;
	_ =	sdelay $0x1  }
0x109: {  	v20 =	vor.u32 v8, v7  }
0x10a: {  	v9 =	vld.idx.msk [tilespmem:v18+s13+$0x0], $0xffff;
	s8 =	sadd.s32 $0x400, s29  }
0x10b: {  	v18 =	vld [tilespmem:s8+$0x100]  }
0x10c: {  	v7 =	vld.idx.msk [tilespmem:v10+s13+$0x0], $0xffff  }
0x10d: {  	v8 =	vld.idx.msk [tilespmem:v19+s13+$0x0], $0xffff  }
0x10e: {  	v10 =	vld.idx.msk [tilespmem:v20+s13+$0x0], $0xffff  }
0x10f: {  	v19 =	vld [tilespmem:s8+$0xFFFFFF00]  }
0x110: {  	v20 =	vld [tilespmem:s8+$0xFFFFFE00]  }
0x111: {  	v21 =	vld [tilespmem:s8+$0x0];
	_ =	sdelay $0x1  }
0x112: {  	v18 =	vsub.f32 v18, v10  }
0x113: {  	s3 =	sadd.s32 $0x400, s28;
	v19 =	vsub.f32 v19, v9  }
0x114: {  	v20 =	vsub.f32 v20, v7;
	[tilespmem:s3+$0x100] =	vst v18  }
0x115: {  	[tilespmem:s3+$0xFFFFFF00] =	vst v19;
	v18 =	vsub.f32 v21, v8;
	v62 =	vld [tilespmem:s8+$0x110]  }
0x116: {  	v19 =	vld [tilespmem:s8+$0xFFFFFF10];
	[tilespmem:s3+$0xFFFFFE00] =	vst v20  }
0x117: {  	v20 =	vld [tilespmem:s8+$0xFFFFFE10];
	[tilespmem:s3+$0x0] =	vst v18  }
0x118: {  	v18 =	vld [tilespmem:s8+$0x10];
	_ =	sdelay $0x1  }
0x119: {  	v21 =	vsub.f32 v62, v10  }
0x11a: {  	v19 =	vsub.f32 v19, v9  }
0x11b: {  	v20 =	vsub.f32 v20, v7;
	[tilespmem:s3+$0x110] =	vst v21  }
0x11c: {  	[tilespmem:s3+$0xFFFFFF10] =	vst v19;
	v18 =	vsub.f32 v18, v8;
	v21 =	vld [tilespmem:s8+$0x120]  }
0x11d: {  	v19 =	vld [tilespmem:s8+$0xFFFFFF20];
	[tilespmem:s3+$0xFFFFFE10] =	vst v20  }
0x11e: {  	v20 =	vld [tilespmem:s8+$0xFFFFFE20];
	[tilespmem:s3+$0x10] =	vst v18  }
0x11f: {  	v18 =	vld [tilespmem:s8+$0x20];
	_ =	sdelay $0x1  }
0x120: {  	v21 =	vsub.f32 v21, v10  }
0x121: {  	v19 =	vsub.f32 v19, v9  }
0x122: {  	v20 =	vsub.f32 v20, v7;
	[tilespmem:s3+$0x120] =	vst v21  }
0x123: {  	[tilespmem:s3+$0xFFFFFF20] =	vst v19;
	v18 =	vsub.f32 v18, v8;
	v21 =	vld [tilespmem:s8+$0x130]  }
0x124: {  	v19 =	vld [tilespmem:s8+$0xFFFFFF30];
	[tilespmem:s3+$0xFFFFFE20] =	vst v20  }
0x125: {  	v20 =	vld [tilespmem:s8+$0xFFFFFE30];
	[tilespmem:s3+$0x20] =	vst v18  }
0x126: {  	v18 =	vld [tilespmem:s8+$0x30];
	_ =	sdelay $0x1  }
0x127: {  	v21 =	vsub.f32 v21, v10  }
0x128: {  	v19 =	vsub.f32 v19, v9  }
0x129: {  	v20 =	vsub.f32 v20, v7;
	[tilespmem:s3+$0x130] =	vst v21  }
0x12a: {  	[tilespmem:s3+$0xFFFFFF30] =	vst v19;
	v18 =	vsub.f32 v18, v8;
	v21 =	vld [tilespmem:s8+$0x140]  }
0x12b: {  	v19 =	vld [tilespmem:s8+$0xFFFFFF40];
	[tilespmem:s3+$0xFFFFFE30] =	vst v20  }
0x12c: {  	v20 =	vld [tilespmem:s8+$0xFFFFFE40];
	[tilespmem:s3+$0x30] =	vst v18  }
0x12d: {  	v18 =	vld [tilespmem:s8+$0x40];
	_ =	sdelay $0x1  }
0x12e: {  	v21 =	vsub.f32 v21, v10  }
0x12f: {  	v19 =	vsub.f32 v19, v9  }
0x130: {  	v20 =	vsub.f32 v20, v7;
	[tilespmem:s3+$0x140] =	vst v21  }
0x131: {  	[tilespmem:s3+$0xFFFFFF40] =	vst v19;
	v18 =	vsub.f32 v18, v8;
	v21 =	vld [tilespmem:s8+$0x150]  }
0x132: {  	v19 =	vld [tilespmem:s8+$0xFFFFFF50];
	[tilespmem:s3+$0xFFFFFE40] =	vst v20  }
0x133: {  	v20 =	vld [tilespmem:s8+$0xFFFFFE50];
	[tilespmem:s3+$0x40] =	vst v18  }
0x134: {  	v18 =	vld [tilespmem:s8+$0x50];
	_ =	sdelay $0x1  }
0x135: {  	v21 =	vsub.f32 v21, v10  }
0x136: {  	[tilespmem:s30+$0x1F0] =	vst v17;
	v17 =	vsub.f32 v19, v9  }
0x137: {  	v19 =	vsub.f32 v20, v7;
	[tilespmem:s3+$0x150] =	vst v21  }
0x138: {  	[tilespmem:s3+$0xFFFFFF50] =	vst v17;
	v18 =	vsub.f32 v18, v8;
	v20 =	vld [tilespmem:s8+$0x160]  }
0x139: {  	v17 =	vld [tilespmem:s8+$0xFFFFFF60];
	[tilespmem:s3+$0xFFFFFE50] =	vst v19  }
0x13a: {  	v6 =	vsub.f32 v12, v6;
	v12 =	vld [tilespmem:s8+$0xFFFFFE60];
	[tilespmem:s3+$0x50] =	vst v18  }
0x13b: {  	v5 =	vsub.f32 v14, v5;
	[tilespmem:s30+$0xE0] =	vst v16;
	v14 =	vld [tilespmem:s8+$0x60]  }
0x13c: {  	v15 =	vsub.f32 v15, v3;
	[tilespmem:s30+$0xFFFFFFF0] =	vst v6  }
0x13d: {  	[tilespmem:s30+$0xFFFFFEF0] =	vst v5;
	v5 =	vsub.f32 v20, v10  }
0x13e: {  	v6 =	vld [tilespmem:s29+$0x70];
	[tilespmem:s28+$0x170] =	vst v15;
	v15 =	vsub.f32 v17, v9  }
0x13f: {  	v16 =	vld [tilespmem:s31+$0xF0];
	v12 =	vsub.f32 v12, v7;
	[tilespmem:s3+$0x160] =	vst v5  }
0x140: {  	[tilespmem:s3+$0xFFFFFF60] =	vst v15;
	v5 =	vsub.f32 v14, v8;
	v14 =	vld [tilespmem:s8+$0x170]  }
0x141: {  	v11 =	vsub.f32 v11, v0;
	[tilespmem:s3+$0xFFFFFE60] =	vst v12;
	v12 =	vld [tilespmem:s8+$0xFFFFFF70]  }
0x142: {  	v13 =	vsub.f32 v13, v2;
	v15 =	vld [tilespmem:s8+$0xFFFFFE70];
	[tilespmem:s3+$0x60] =	vst v5  }
0x143: {  	[tilespmem:s28+$0xFFFFFE70] =	vst v11;
	v5 =	vsub.f32 v6, v1;
	v6 =	vld [tilespmem:s8+$0x70]  }
0x144: {  	v11 =	vld [tilespmem:s29+$0x180];
	[tilespmem:s28+$0xFFFFFF70] =	vst v13;
	v4 =	vsub.f32 v16, v4  }
0x145: {  	v13 =	vld [tilespmem:s29+$0xFFFFFF80];
	[tilespmem:s28+$0x70] =	vst v5;
	v5 =	vsub.f32 v14, v10  }
0x146: {  	[tilespmem:s30+$0xF0] =	vst v4;
	v4 =	vsub.f32 v12, v9;
	v14 =	vld [tilespmem:s29+$0xFFFFFE80]  }
0x147: {  	v12 =	vld [tilespmem:s29+$0x80];
	v15 =	vsub.f32 v15, v7;
	[tilespmem:s3+$0x170] =	vst v5  }
0x148: {  	[tilespmem:s3+$0xFFFFFF70] =	vst v4;
	v5 =	vsub.f32 v6, v8;
	v6 =	vld [tilespmem:s8+$0x180]  }
0x149: {  	v4 =	vsub.f32 v11, v3;
	[tilespmem:s3+$0xFFFFFE70] =	vst v15;
	v11 =	vld [tilespmem:s8+$0xFFFFFF80]  }
0x14a: {  	v13 =	vsub.f32 v13, v2;
	v15 =	vld [tilespmem:s8+$0xFFFFFE80];
	[tilespmem:s3+$0x70] =	vst v5  }
0x14b: {  	[tilespmem:s28+$0x180] =	vst v4;
	v5 =	vsub.f32 v14, v0;
	v4 =	vld [tilespmem:s8+$0x80]  }
0x14c: {  	[tilespmem:s28+$0xFFFFFF80] =	vst v13;
	v12 =	vsub.f32 v12, v1;
	v14 =	vld [tilespmem:s29+$0x190]  }
0x14d: {  	[tilespmem:s28+$0xFFFFFE80] =	vst v5;
	v5 =	vld [tilespmem:s29+$0xFFFFFF90];
	v6 =	vsub.f32 v6, v10  }
0x14e: {  	[tilespmem:s28+$0x80] =	vst v12;
	v11 =	vsub.f32 v11, v9;
	v13 =	vld [tilespmem:s29+$0xFFFFFE90]  }
0x14f: {  	v12 =	vld [tilespmem:s29+$0x90];
	v15 =	vsub.f32 v15, v7;
	[tilespmem:s3+$0x180] =	vst v6  }
0x150: {  	[tilespmem:s3+$0xFFFFFF80] =	vst v11;
	v4 =	vsub.f32 v4, v8;
	v6 =	vld [tilespmem:s8+$0x190]  }
0x151: {  	v11 =	vsub.f32 v14, v3;
	[tilespmem:s3+$0xFFFFFE80] =	vst v15;
	v14 =	vld [tilespmem:s8+$0xFFFFFF90]  }
0x152: {  	v15 =	vld [tilespmem:s8+$0xFFFFFE90];
	v5 =	vsub.f32 v5, v2;
	[tilespmem:s3+$0x80] =	vst v4  }
0x153: {  	[tilespmem:s28+$0x190] =	vst v11;
	v4 =	vsub.f32 v13, v0;
	v11 =	vld [tilespmem:s8+$0x90]  }
0x154: {  	v13 =	vld [tilespmem:s29+$0x1A0];
	[tilespmem:s28+$0xFFFFFF90] =	vst v5;
	v5 =	vsub.f32 v12, v1  }
0x155: {  	[tilespmem:s28+$0xFFFFFE90] =	vst v4;
	v4 =	vld [tilespmem:s29+$0xFFFFFFA0];
	v6 =	vsub.f32 v6, v10  }
0x156: {  	v12 =	vld [tilespmem:s29+$0xFFFFFEA0];
	[tilespmem:s28+$0x90] =	vst v5;
	v5 =	vsub.f32 v14, v9  }
0x157: {  	v14 =	vld [tilespmem:s29+$0xA0];
	[tilespmem:s3+$0x190] =	vst v6;
	v6 =	vsub.f32 v15, v7  }
0x158: {  	[tilespmem:s3+$0xFFFFFF90] =	vst v5;
	v5 =	vsub.f32 v11, v8;
	v15 =	vld [tilespmem:s8+$0x1A0]  }
0x159: {  	v11 =	vsub.f32 v13, v3;
	[tilespmem:s3+$0xFFFFFE90] =	vst v6;
	v6 =	vld [tilespmem:s8+$0xFFFFFFA0]  }
0x15a: {  	v4 =	vsub.f32 v4, v2;
	[tilespmem:s3+$0x90] =	vst v5;
	v13 =	vld [tilespmem:s8+$0xFFFFFEA0]  }
0x15b: {  	[tilespmem:s28+$0x1A0] =	vst v11;
	v5 =	vsub.f32 v12, v0;
	v11 =	vld [tilespmem:s8+$0xA0]  }
0x15c: {  	v12 =	vld [tilespmem:s29+$0x1B0];
	[tilespmem:s28+$0xFFFFFFA0] =	vst v4;
	v4 =	vsub.f32 v14, v1  }
0x15d: {  	[tilespmem:s28+$0xFFFFFEA0] =	vst v5;
	v5 =	vld [tilespmem:s29+$0xFFFFFFB0];
	v14 =	vsub.f32 v15, v10  }
0x15e: {  	v15 =	vld [tilespmem:s29+$0xFFFFFEB0];
	[tilespmem:s28+$0xA0] =	vst v4;
	v4 =	vsub.f32 v6, v9  }
0x15f: {  	v6 =	vld [tilespmem:s29+$0xB0];
	[tilespmem:s3+$0x1A0] =	vst v14;
	v13 =	vsub.f32 v13, v7  }
0x160: {  	v14 =	vld [tilespmem:s8+$0x1B0];
	[tilespmem:s3+$0xFFFFFFA0] =	vst v4;
	v4 =	vsub.f32 v11, v8  }
0x161: {  	v11 =	vsub.f32 v12, v3;
	[tilespmem:s3+$0xFFFFFEA0] =	vst v13;
	v12 =	vld [tilespmem:s8+$0xFFFFFFB0]  }
0x162: {  	v5 =	vsub.f32 v5, v2;
	v13 =	vld [tilespmem:s8+$0xFFFFFEB0];
	[tilespmem:s3+$0xA0] =	vst v4  }
0x163: {  	[tilespmem:s28+$0x1B0] =	vst v11;
	v4 =	vsub.f32 v15, v0;
	v11 =	vld [tilespmem:s8+$0xB0]  }
0x164: {  	v15 =	vld [tilespmem:s29+$0x1C0];
	[tilespmem:s28+$0xFFFFFFB0] =	vst v5;
	v5 =	vsub.f32 v6, v1  }
0x165: {  	[tilespmem:s28+$0xFFFFFEB0] =	vst v4;
	v4 =	vld [tilespmem:s29+$0xFFFFFFC0];
	v6 =	vsub.f32 v14, v10  }
0x166: {  	v14 =	vld [tilespmem:s29+$0xFFFFFEC0];
	[tilespmem:s28+$0xB0] =	vst v5;
	v5 =	vsub.f32 v12, v9  }
0x167: {  	v12 =	vld [tilespmem:s29+$0xC0];
	[tilespmem:s3+$0x1B0] =	vst v6;
	v6 =	vsub.f32 v13, v7  }
0x168: {  	v13 =	vld [tilespmem:s8+$0x1C0];
	[tilespmem:s3+$0xFFFFFFB0] =	vst v5;
	v5 =	vsub.f32 v11, v8  }
0x169: {  	v11 =	vsub.f32 v15, v3;
	[tilespmem:s3+$0xFFFFFEB0] =	vst v6;
	v6 =	vld [tilespmem:s8+$0xFFFFFFC0]  }
0x16a: {  	v4 =	vsub.f32 v4, v2;
	v15 =	vld [tilespmem:s8+$0xFFFFFEC0];
	[tilespmem:s3+$0xB0] =	vst v5  }
0x16b: {  	[tilespmem:s28+$0x1C0] =	vst v11;
	v5 =	vsub.f32 v14, v0;
	v11 =	vld [tilespmem:s8+$0xC0]  }
0x16c: {  	v14 =	vld [tilespmem:s29+$0x1D0];
	[tilespmem:s28+$0xFFFFFFC0] =	vst v4;
	v4 =	vsub.f32 v12, v1  }
0x16d: {  	[tilespmem:s28+$0xFFFFFEC0] =	vst v5;
	v5 =	vld [tilespmem:s29+$0xFFFFFFD0];
	v12 =	vsub.f32 v13, v10  }
0x16e: {  	v13 =	vld [tilespmem:s29+$0xFFFFFED0];
	[tilespmem:s28+$0xC0] =	vst v4;
	v4 =	vsub.f32 v6, v9  }
0x16f: {  	v6 =	vld [tilespmem:s29+$0xD0];
	[tilespmem:s3+$0x1C0] =	vst v12;
	v12 =	vsub.f32 v15, v7  }
0x170: {  	v15 =	vld [tilespmem:s8+$0x1D0];
	[tilespmem:s3+$0xFFFFFFC0] =	vst v4;
	v4 =	vsub.f32 v11, v8  }
0x171: {  	v11 =	vsub.f32 v14, v3;
	[tilespmem:s3+$0xFFFFFEC0] =	vst v12;
	v12 =	vld [tilespmem:s8+$0xFFFFFFD0]  }
0x172: {  	v5 =	vsub.f32 v5, v2;
	v14 =	vld [tilespmem:s8+$0xFFFFFED0];
	[tilespmem:s3+$0xC0] =	vst v4  }
0x173: {  	[tilespmem:s28+$0x1D0] =	vst v11;
	v4 =	vsub.f32 v13, v0;
	v11 =	vld [tilespmem:s8+$0xD0]  }
0x174: {  	v13 =	vld [tilespmem:s29+$0x1E0];
	[tilespmem:s28+$0xFFFFFFD0] =	vst v5;
	v5 =	vsub.f32 v6, v1  }
0x175: {  	[tilespmem:s28+$0xFFFFFED0] =	vst v4;
	v4 =	vld [tilespmem:s29+$0xFFFFFFE0];
	v6 =	vsub.f32 v15, v10  }
0x176: {  	v15 =	vld [tilespmem:s29+$0xFFFFFEE0];
	[tilespmem:s28+$0xD0] =	vst v5;
	v5 =	vsub.f32 v12, v9  }
0x177: {  	v12 =	vld [tilespmem:s29+$0xE0];
	[tilespmem:s3+$0x1D0] =	vst v6;
	v6 =	vsub.f32 v14, v7  }
0x178: {  	v14 =	vld [tilespmem:s8+$0x1E0];
	[tilespmem:s3+$0xFFFFFFD0] =	vst v5;
	v5 =	vsub.f32 v11, v8  }
0x179: {  	v11 =	vsub.f32 v13, v3;
	[tilespmem:s3+$0xFFFFFED0] =	vst v6;
	v6 =	vld [tilespmem:s8+$0xFFFFFFE0]  }
0x17a: {  	v4 =	vsub.f32 v4, v2;
	v13 =	vld [tilespmem:s8+$0xFFFFFEE0];
	[tilespmem:s3+$0xD0] =	vst v5  }
0x17b: {  	[tilespmem:s28+$0x1E0] =	vst v11;
	v5 =	vsub.f32 v15, v0;
	v11 =	vld [tilespmem:s8+$0xE0]  }
0x17c: {  	v15 =	vld [tilespmem:s29+$0x1F0];
	[tilespmem:s28+$0xFFFFFFE0] =	vst v4;
	v4 =	vsub.f32 v12, v1  }
0x17d: {  	[tilespmem:s28+$0xFFFFFEE0] =	vst v5;
	v5 =	vld [tilespmem:s29+$0xFFFFFFF0];
	v12 =	vsub.f32 v14, v10  }
0x17e: {  	v14 =	vld [tilespmem:s29+$0xFFFFFEF0];
	[tilespmem:s28+$0xE0] =	vst v4;
	v4 =	vsub.f32 v6, v9  }
0x17f: {  	v6 =	vld [tilespmem:s29+$0xF0];
	[tilespmem:s3+$0x1E0] =	vst v12;
	v12 =	vsub.f32 v13, v7  }
0x180: {  	v13 =	vld [tilespmem:s8+$0x1F0];
	[tilespmem:s3+$0xFFFFFFE0] =	vst v4;
	v4 =	vsub.f32 v11, v8  }
0x181: {  	v3 =	vsub.f32 v15, v3;
	[tilespmem:s3+$0xFFFFFEE0] =	vst v12;
	v11 =	vld [tilespmem:s8+$0xFFFFFFF0]  }
0x182: {  	v2 =	vsub.f32 v5, v2;
	v5 =	vld [tilespmem:s8+$0xFFFFFEF0];
	[tilespmem:s3+$0xE0] =	vst v4  }
0x183: {  	[tilespmem:s28+$0x1F0] =	vst v3;
	v0 =	vsub.f32 v14, v0;
	v3 =	vld [tilespmem:s8+$0xF0]  }
0x184: {  	[tilespmem:s28+$0xFFFFFFF0] =	vst v2;
	v1 =	vsub.f32 v6, v1  }
0x185: {  	[tilespmem:s28+$0xFFFFFEF0] =	vst v0;
	v0 =	vsub.f32 v13, v10  }
0x186: {  	[tilespmem:s28+$0xF0] =	vst v1;
	v1 =	vsub.f32 v11, v9  }
0x187: {  	[tilespmem:s3+$0x1F0] =	vst v0;
	v0 =	vsub.f32 v5, v7  }
0x188: {  	[tilespmem:s3+$0xFFFFFFF0] =	vst v1;
	v1 =	vsub.f32 v3, v8  }
0x189: {  	s16 =	sadd.s32 s6, s16;
	p1 =	seq.s32 s25, $0x3F;
	[tilespmem:s3+$0xFFFFFEF0] =	vst v0  }
0x18a: {  	s1 =	sadd.s32 s1, s16;
	s0 =	sadd.s32 @!p1 $0x2, s0;
	[tilespmem:s3+$0xF0] =	vst v1  }
0x18b: {  	[hbm4b:s1+s12] =	stream.strided.scatter [tilespmem:s19], [sflag:$0x3], $0x4000, s15, s12, $0x38;
	[tilespmem:$0x14100] =	vst v63  }
0x18c: {  	s1 =	sshll.u32 @!p1 s0, $0x4  }
0x18d: {  	s0 =	sshll.u32 @!p1 s0, $0xB;
	s1 =	sand.u32 @!p1 $0x60, s1  }
0x18e: {  	s4 =	simm.s32 @!p1 $0x4100;
	s0 =	sand.u32 @!p1 $0xFFFC000, s0;
	s1 =	sadd.s32 @!p1 s2, s1  }
0x18f: {  	s3 =	simm.s32 @!p1 $0x400;
	s0 =	sadd.s32 @!p1 s0, s1;
	s1 =	simm.s32 @!p1 $0x80  }
0x190: {  	[tilespmem:s4], [sflag:$0x1] =	stream.strided.gather @!p1 [hbm4b:s0+s1], $0x4000, s3, s1, $0x38;
	[tilespmem:$0x14100] =	vst v63  }
0x191: {  	s1 =	sor.u32 $0x1, s26;
	_ =	swait.ge [sflag:s20], $0x4000  }
0x192: {  	v0 =	vmov s1;
	[sflag:s20] =	ssyncset.done $0x0  }
0x193: {  	s0 =	simm.s32 @!p0 $0x4;
	[sflag:s20] =	ssyncadd.s32 $0xFFFFC000  }
0x194: {  	_ =	swait.ge @!p0 [sflag:s0], $0x4000  }
0x195: {  	[sflag:s0] =	ssyncset.done @!p0 $0x0  }
0x196: {  	s8 =	simm.s32 $0x0;
	[sflag:s0] =	ssyncadd.s32 @!p0 $0xFFFFC000  }
0x197: {  	v1 =	vld.idx.msk [tilespmem:v0+s8+$0x0], $0xffff;
	_ =	sdelay $0x2  }
0x198: {  	v7 =	vshll.u32 v0, $0x7  }
0x199: {  	s16 =	simm.s32 $0x1;
	v0 =	vor.u32 s8, v7  }
0x19a: {  	v2 =	vor.u32 s16, v7;
	v0 =	vbroadcast v0, $0x0;
	v1 =	vshll.u32 v1, $0x6  }
0x19b: {  	s26 =	simm.s32 $0x3;
	v8 =	vand.u32 $0x40, v1;
	v1 =	vbroadcast v2, $0x0  }
0x19c: {  	v2 =	vor.u32 s26, v7;
	v0 =	vor.u32 v8, v0  }
0x19d: {  	v2 =	vbroadcast v2, $0x0;
	v1 =	vor.u32 v8, v1  }
0x19e: {  	s3 =	simm.s32 $0x2  }
0x19f: {  	v3 =	vor.u32 s3, v7;
	v2 =	vor.u32 v8, v2  }
0x1a0: {  	v3 =	vbroadcast v3, $0x0  }
0x1a1: {  	v5 =	vld.idx.msk [tilespmem:v0+s13+$0x0], $0xffff  }
0x1a2: {  	s30 =	simm.s32 $0x8300;
	v0 =	vor.u32 v8, v3;
	v6 =	vld.idx.msk [tilespmem:v1+s13+$0x0], $0xffff  }
0x1a3: {  	v1 =	vld [tilespmem:s30+$0x100]  }
0x1a4: {  	v9 =	vld.idx.msk [tilespmem:v2+s13+$0x0], $0xffff  }
0x1a5: {  	v2 =	vld [tilespmem:s30+$0xFFFFFE00]  }
0x1a6: {  	v3 =	vld [tilespmem:s30+$0xFFFFFF00]  }
0x1a7: {  	v4 =	vld.idx.msk [tilespmem:v0+s13+$0x0], $0xffff  }
0x1a8: {  	v0 =	vld [tilespmem:s30+$0x0]  }
0x1a9: {  	v1 =	vsub.f32 v1, v9  }
0x1aa: {  	s29 =	simm.s32 $0x10300;
	v2 =	vsub.f32 v2, v5  }
0x1ab: {  	v3 =	vsub.f32 v3, v6;
	[tilespmem:s29+$0x100] =	vst v1  }
0x1ac: {  	[tilespmem:s29+$0xFFFFFE00] =	vst v2;
	v1 =	vld [tilespmem:s30+$0x110]  }
0x1ad: {  	[tilespmem:s29+$0xFFFFFF00] =	vst v3;
	v0 =	vsub.f32 v0, v4;
	v2 =	vld [tilespmem:s30+$0xFFFFFE10]  }
0x1ae: {  	v3 =	vld [tilespmem:s30+$0xFFFFFF10]  }
0x1af: {  	[tilespmem:s29+$0x0] =	vst v0  }
0x1b0: {  	v0 =	vld [tilespmem:s30+$0x10]  }
0x1b1: {  	v1 =	vsub.f32 v1, v9  }
0x1b2: {  	v2 =	vsub.f32 v2, v5  }
0x1b3: {  	v3 =	vsub.f32 v3, v6;
	[tilespmem:s29+$0x110] =	vst v1  }
0x1b4: {  	[tilespmem:s29+$0xFFFFFE10] =	vst v2;
	v1 =	vld [tilespmem:s30+$0x120]  }
0x1b5: {  	[tilespmem:s29+$0xFFFFFF10] =	vst v3;
	v0 =	vsub.f32 v0, v4;
	v2 =	vld [tilespmem:s30+$0xFFFFFE20]  }
0x1b6: {  	v3 =	vld [tilespmem:s30+$0xFFFFFF20]  }
0x1b7: {  	[tilespmem:s29+$0x10] =	vst v0  }
0x1b8: {  	v0 =	vld [tilespmem:s30+$0x20]  }
0x1b9: {  	v1 =	vsub.f32 v1, v9  }
0x1ba: {  	v2 =	vsub.f32 v2, v5  }
0x1bb: {  	v3 =	vsub.f32 v3, v6;
	[tilespmem:s29+$0x120] =	vst v1  }
0x1bc: {  	[tilespmem:s29+$0xFFFFFE20] =	vst v2;
	v1 =	vld [tilespmem:s30+$0x130]  }
0x1bd: {  	[tilespmem:s29+$0xFFFFFF20] =	vst v3;
	v0 =	vsub.f32 v0, v4;
	v2 =	vld [tilespmem:s30+$0xFFFFFE30]  }
0x1be: {  	v3 =	vld [tilespmem:s30+$0xFFFFFF30]  }
0x1bf: {  	[tilespmem:s29+$0x20] =	vst v0  }
0x1c0: {  	v0 =	vld [tilespmem:s30+$0x30]  }
0x1c1: {  	v1 =	vsub.f32 v1, v9  }
0x1c2: {  	v2 =	vsub.f32 v2, v5  }
0x1c3: {  	v3 =	vsub.f32 v3, v6;
	[tilespmem:s29+$0x130] =	vst v1  }
0x1c4: {  	[tilespmem:s29+$0xFFFFFE30] =	vst v2;
	v1 =	vld [tilespmem:s30+$0x140]  }
0x1c5: {  	[tilespmem:s29+$0xFFFFFF30] =	vst v3;
	v0 =	vsub.f32 v0, v4;
	v2 =	vld [tilespmem:s30+$0xFFFFFE40]  }
0x1c6: {  	v3 =	vld [tilespmem:s30+$0xFFFFFF40]  }
0x1c7: {  	[tilespmem:s29+$0x30] =	vst v0  }
0x1c8: {  	v0 =	vld [tilespmem:s30+$0x40]  }
0x1c9: {  	v1 =	vsub.f32 v1, v9  }
0x1ca: {  	v2 =	vsub.f32 v2, v5  }
0x1cb: {  	v3 =	vsub.f32 v3, v6;
	[tilespmem:s29+$0x140] =	vst v1  }
0x1cc: {  	[tilespmem:s29+$0xFFFFFE40] =	vst v2;
	v1 =	vld [tilespmem:s30+$0x150]  }
0x1cd: {  	[tilespmem:s29+$0xFFFFFF40] =	vst v3;
	v0 =	vsub.f32 v0, v4;
	v2 =	vld [tilespmem:s30+$0xFFFFFE50]  }
0x1ce: {  	v3 =	vld [tilespmem:s30+$0xFFFFFF50]  }
0x1cf: {  	[tilespmem:s29+$0x40] =	vst v0  }
0x1d0: {  	v0 =	vld [tilespmem:s30+$0x50]  }
0x1d1: {  	v1 =	vsub.f32 v1, v9  }
0x1d2: {  	v2 =	vsub.f32 v2, v5  }
0x1d3: {  	v3 =	vsub.f32 v3, v6;
	[tilespmem:s29+$0x150] =	vst v1  }
0x1d4: {  	[tilespmem:s29+$0xFFFFFE50] =	vst v2;
	v1 =	vld [tilespmem:s30+$0x160]  }
0x1d5: {  	[tilespmem:s29+$0xFFFFFF50] =	vst v3;
	v0 =	vsub.f32 v0, v4;
	v2 =	vld [tilespmem:s30+$0xFFFFFE60]  }
0x1d6: {  	v3 =	vld [tilespmem:s30+$0xFFFFFF60]  }
0x1d7: {  	[tilespmem:s29+$0x50] =	vst v0  }
0x1d8: {  	s4 =	simm.s32 $0x4;
	v0 =	vld [tilespmem:s30+$0x60]  }
0x1d9: {  	v10 =	vor.u32 s4, v7;
	s8 =	simm.s32 $0x5;
	v1 =	vsub.f32 v1, v9  }
0x1da: {  	s16 =	simm.s32 $0x6;
	v10 =	vbroadcast v10, $0x0;
	v11 =	vor.u32 s8, v7;
	v2 =	vsub.f32 v2, v5  }
0x1db: {  	v12 =	vor.u32 s16, v7;
	v11 =	vbroadcast v11, $0x0;
	v3 =	vsub.f32 v3, v6;
	[tilespmem:s29+$0x160] =	vst v1  }
0x1dc: {  	v1 =	vor.u32 v8, v10;
	v10 =	vbroadcast v12, $0x0;
	[tilespmem:s29+$0xFFFFFE60] =	vst v2;
	v2 =	vld [tilespmem:s30+$0x170]  }
0x1dd: {  	v11 =	vor.u32 v8, v11;
	[tilespmem:s29+$0xFFFFFF60] =	vst v3;
	v0 =	vsub.f32 v0, v4;
	v12 =	vld [tilespmem:s30+$0xFFFFFE70]  }
0x1de: {  	s26 =	simm.s32 $0x7;
	v3 =	vor.u32 v8, v10;
	v10 =	vld [tilespmem:s30+$0xFFFFFF70]  }
0x1df: {  	[tilespmem:s29+$0x60] =	vst v0;
	v0 =	vor.u32 s26, v7  }
0x1e0: {  	v13 =	vld [tilespmem:s30+$0x70];
	v14 =	vbroadcast v0, $0x0  }
0x1e1: {  	v0 =	vld.idx.msk [tilespmem:v1+s13+$0x0], $0xffff;
	v15 =	vsub.f32 v2, v9  }
0x1e2: {  	v2 =	vld.idx.msk [tilespmem:v11+s13+$0x0], $0xffff;
	v11 =	vor.u32 v8, v14;
	v12 =	vsub.f32 v12, v5  }
0x1e3: {  	v1 =	vld.idx.msk [tilespmem:v3+s13+$0x0], $0xffff;
	v3 =	vsub.f32 v10, v6;
	[tilespmem:s29+$0x170] =	vst v15  }
0x1e4: {  	[tilespmem:s29+$0xFFFFFE70] =	vst v12;
	v10 =	vld [tilespmem:s30+$0x180]  }
0x1e5: {  	v12 =	vld [tilespmem:s30+$0xFFFFFE80];
	[tilespmem:s29+$0xFFFFFF70] =	vst v3  }
0x1e6: {  	v14 =	vld [tilespmem:s30+$0xFFFFFF80]  }
0x1e7: {  	s28 =	simm.s32 $0x8700;
	v3 =	vld.idx.msk [tilespmem:v11+s13+$0x0], $0xffff  }
0x1e8: {  	v11 =	vld [tilespmem:s28+$0x100]  }
0x1e9: {  	v15 =	vld [tilespmem:s28+$0xFFFFFE00];
	v10 =	vsub.f32 v10, v9  }
0x1ea: {  	v16 =	vld [tilespmem:s28+$0xFFFFFF00];
	v13 =	vsub.f32 v13, v4  }
0x1eb: {  	v17 =	vld [tilespmem:s28+$0x0];
	v14 =	vsub.f32 v14, v6;
	[tilespmem:s29+$0x180] =	vst v10  }
0x1ec: {  	[tilespmem:s29+$0x70] =	vst v13;
	v10 =	vsub.f32 v12, v5;
	v12 =	vld [tilespmem:s30+$0x190]  }
0x1ed: {  	v13 =	vld [tilespmem:s30+$0x80];
	v11 =	vsub.f32 v11, v3;
	[tilespmem:s29+$0xFFFFFF80] =	vst v14  }
0x1ee: {  	s26 =	simm.s32 $0x10700;
	[tilespmem:s29+$0xFFFFFE80] =	vst v10;
	v10 =	vsub.f32 v15, v0;
	v14 =	vld [tilespmem:s30+$0xFFFFFF90]  }
0x1ef: {  	v15 =	vsub.f32 v16, v2;
	[tilespmem:s26+$0x100] =	vst v11;
	v11 =	vld [tilespmem:s30+$0xFFFFFE90]  }
0x1f0: {  	v16 =	vld [tilespmem:s28+$0x110];
	[tilespmem:s26+$0xFFFFFE00] =	vst v10;
	v10 =	vsub.f32 v17, v1  }
0x1f1: {  	[tilespmem:s26+$0xFFFFFF00] =	vst v15;
	v17 =	vld [tilespmem:s28+$0xFFFFFE10];
	v12 =	vsub.f32 v12, v9  }
0x1f2: {  	v15 =	vld [tilespmem:s28+$0xFFFFFF10];
	[tilespmem:s26+$0x0] =	vst v10;
	v10 =	vsub.f32 v13, v4  }
0x1f3: {  	v13 =	vld [tilespmem:s28+$0x10];
	v14 =	vsub.f32 v14, v6;
	[tilespmem:s29+$0x190] =	vst v12  }
0x1f4: {  	v11 =	vsub.f32 v11, v5;
	[tilespmem:s29+$0x80] =	vst v10;
	v10 =	vld [tilespmem:s30+$0x1A0]  }
0x1f5: {  	v12 =	vsub.f32 v16, v3;
	[tilespmem:s29+$0xFFFFFF90] =	vst v14;
	v14 =	vld [tilespmem:s30+$0x90]  }
0x1f6: {  	v16 =	vsub.f32 v17, v0;
	[tilespmem:s29+$0xFFFFFE90] =	vst v11;
	v11 =	vld [tilespmem:s30+$0xFFFFFFA0]  }
0x1f7: {  	v15 =	vsub.f32 v15, v2;
	[tilespmem:s26+$0x110] =	vst v12;
	v12 =	vld [tilespmem:s30+$0xFFFFFEA0]  }
0x1f8: {  	[tilespmem:s26+$0xFFFFFE10] =	vst v16;
	v13 =	vsub.f32 v13, v1;
	v16 =	vld [tilespmem:s28+$0x120]  }
0x1f9: {  	[tilespmem:s26+$0xFFFFFF10] =	vst v15;
	v17 =	vld [tilespmem:s28+$0xFFFFFE20];
	v10 =	vsub.f32 v10, v9  }
0x1fa: {  	v15 =	vld [tilespmem:s28+$0xFFFFFF20];
	[tilespmem:s26+$0x10] =	vst v13;
	v13 =	vsub.f32 v14, v4  }
0x1fb: {  	v14 =	vld [tilespmem:s28+$0x20];
	v11 =	vsub.f32 v11, v6;
	[tilespmem:s29+$0x1A0] =	vst v10  }
0x1fc: {  	v10 =	vsub.f32 v12, v5;
	[tilespmem:s29+$0x90] =	vst v13;
	v12 =	vld [tilespmem:s30+$0x1B0]  }
0x1fd: {  	v13 =	vsub.f32 v16, v3;
	[tilespmem:s29+$0xFFFFFFA0] =	vst v11;
	v11 =	vld [tilespmem:s30+$0xA0]  }
0x1fe: {  	v16 =	vsub.f32 v17, v0;
	[tilespmem:s29+$0xFFFFFEA0] =	vst v10;
	v10 =	vld [tilespmem:s30+$0xFFFFFFB0]  }
0x1ff: {  	v15 =	vsub.f32 v15, v2;
	[tilespmem:s26+$0x120] =	vst v13;
	v13 =	vld [tilespmem:s30+$0xFFFFFEB0]  }
0x200: {  	[tilespmem:s26+$0xFFFFFE20] =	vst v16;
	v14 =	vsub.f32 v14, v1;
	v16 =	vld [tilespmem:s28+$0x130]  }
0x201: {  	[tilespmem:s26+$0xFFFFFF20] =	vst v15;
	v17 =	vld [tilespmem:s28+$0xFFFFFE30];
	v12 =	vsub.f32 v12, v9  }
0x202: {  	v15 =	vld [tilespmem:s28+$0xFFFFFF30];
	[tilespmem:s26+$0x20] =	vst v14;
	v11 =	vsub.f32 v11, v4  }
0x203: {  	v14 =	vld [tilespmem:s28+$0x30];
	v10 =	vsub.f32 v10, v6;
	[tilespmem:s29+$0x1B0] =	vst v12  }
0x204: {  	v12 =	vsub.f32 v13, v5;
	[tilespmem:s29+$0xA0] =	vst v11;
	v11 =	vld [tilespmem:s30+$0x1C0]  }
0x205: {  	v13 =	vsub.f32 v16, v3;
	[tilespmem:s29+$0xFFFFFFB0] =	vst v10;
	v10 =	vld [tilespmem:s30+$0xB0]  }
0x206: {  	v16 =	vsub.f32 v17, v0;
	[tilespmem:s29+$0xFFFFFEB0] =	vst v12;
	v12 =	vld [tilespmem:s30+$0xFFFFFFC0]  }
0x207: {  	v15 =	vsub.f32 v15, v2;
	[tilespmem:s26+$0x130] =	vst v13;
	v13 =	vld [tilespmem:s30+$0xFFFFFEC0]  }
0x208: {  	[tilespmem:s26+$0xFFFFFE30] =	vst v16;
	v14 =	vsub.f32 v14, v1;
	v16 =	vld [tilespmem:s28+$0x140]  }
0x209: {  	[tilespmem:s26+$0xFFFFFF30] =	vst v15;
	v17 =	vld [tilespmem:s28+$0xFFFFFE40];
	v11 =	vsub.f32 v11, v9  }
0x20a: {  	v15 =	vld [tilespmem:s28+$0xFFFFFF40];
	[tilespmem:s26+$0x30] =	vst v14;
	v10 =	vsub.f32 v10, v4  }
0x20b: {  	v14 =	vld [tilespmem:s28+$0x40];
	v12 =	vsub.f32 v12, v6;
	[tilespmem:s29+$0x1C0] =	vst v11  }
0x20c: {  	v11 =	vsub.f32 v13, v5;
	[tilespmem:s29+$0xB0] =	vst v10;
	v10 =	vld [tilespmem:s30+$0x1D0]  }
0x20d: {  	v13 =	vsub.f32 v16, v3;
	[tilespmem:s29+$0xFFFFFFC0] =	vst v12;
	v12 =	vld [tilespmem:s30+$0xC0]  }
0x20e: {  	v16 =	vsub.f32 v17, v0;
	[tilespmem:s29+$0xFFFFFEC0] =	vst v11;
	v11 =	vld [tilespmem:s30+$0xFFFFFFD0]  }
0x20f: {  	v15 =	vsub.f32 v15, v2;
	[tilespmem:s26+$0x140] =	vst v13;
	v13 =	vld [tilespmem:s30+$0xFFFFFED0]  }
0x210: {  	[tilespmem:s26+$0xFFFFFE40] =	vst v16;
	v14 =	vsub.f32 v14, v1;
	v16 =	vld [tilespmem:s28+$0x150]  }
0x211: {  	[tilespmem:s26+$0xFFFFFF40] =	vst v15;
	v17 =	vld [tilespmem:s28+$0xFFFFFE50];
	v10 =	vsub.f32 v10, v9  }
0x212: {  	v15 =	vld [tilespmem:s28+$0xFFFFFF50];
	[tilespmem:s26+$0x40] =	vst v14;
	v12 =	vsub.f32 v12, v4  }
0x213: {  	v14 =	vld [tilespmem:s28+$0x50];
	v11 =	vsub.f32 v11, v6;
	[tilespmem:s29+$0x1D0] =	vst v10  }
0x214: {  	v10 =	vsub.f32 v13, v5;
	[tilespmem:s29+$0xC0] =	vst v12;
	v12 =	vld [tilespmem:s30+$0x1E0]  }
0x215: {  	v13 =	vsub.f32 v16, v3;
	[tilespmem:s29+$0xFFFFFFD0] =	vst v11;
	v11 =	vld [tilespmem:s30+$0xD0]  }
0x216: {  	v16 =	vsub.f32 v17, v0;
	[tilespmem:s29+$0xFFFFFED0] =	vst v10;
	v10 =	vld [tilespmem:s30+$0xFFFFFFE0]  }
0x217: {  	v15 =	vsub.f32 v15, v2;
	[tilespmem:s26+$0x150] =	vst v13;
	v13 =	vld [tilespmem:s30+$0xFFFFFEE0]  }
0x218: {  	[tilespmem:s26+$0xFFFFFE50] =	vst v16;
	v14 =	vsub.f32 v14, v1;
	v16 =	vld [tilespmem:s28+$0x160]  }
0x219: {  	[tilespmem:s26+$0xFFFFFF50] =	vst v15;
	v17 =	vld [tilespmem:s28+$0xFFFFFE60];
	v12 =	vsub.f32 v12, v9  }
0x21a: {  	v15 =	vld [tilespmem:s28+$0xFFFFFF60];
	[tilespmem:s26+$0x50] =	vst v14;
	v11 =	vsub.f32 v11, v4  }
0x21b: {  	s3 =	simm.s32 $0x8;
	v18 =	vld [tilespmem:s28+$0x60];
	v10 =	vsub.f32 v10, v6;
	[tilespmem:s29+$0x1E0] =	vst v12  }
0x21c: {  	v12 =	vsub.f32 v13, v5;
	[tilespmem:s29+$0xD0] =	vst v11;
	v11 =	vor.u32 s3, v7;
	v13 =	vld [tilespmem:s30+$0x1F0]  }
0x21d: {  	s4 =	simm.s32 $0x9;
	s8 =	simm.s32 $0xA;
	v14 =	vsub.f32 v16, v3;
	[tilespmem:s29+$0xFFFFFFE0] =	vst v10;
	v16 =	vld [tilespmem:s30+$0xE0];
	v10 =	vbroadcast v11, $0x0  }
0x21e: {  	v19 =	vor.u32 s8, v7;
	v11 =	vor.u32 s4, v7;
	v17 =	vsub.f32 v17, v0;
	[tilespmem:s29+$0xFFFFFEE0] =	vst v12;
	v12 =	vld [tilespmem:s30+$0xFFFFFFF0]  }
0x21f: {  	v11 =	vbroadcast v11, $0x0;
	v20 =	vsub.f32 v15, v2;
	[tilespmem:s26+$0x160] =	vst v14;
	v14 =	vld [tilespmem:s30+$0xFFFFFEF0];
	v10 =	vor.u32 v8, v10  }
0x220: {  	s31 =	sor.u32 s5, s1;
	s1 =	sshll.u32 s1, $0x4;
	v19 =	vbroadcast v19, $0x0;
	[tilespmem:s26+$0xFFFFFE60] =	vst v17;
	v63 =	vsub.f32 v18, v1;
	v15 =	vld [tilespmem:s28+$0x170]  }
0x221: {  	s1 =	sand.u32 $0x70, s1;
	s16 =	sshll.u32 s31, $0xB;
	v18 =	vor.u32 v8, v11;
	[tilespmem:s26+$0xFFFFFF60] =	vst v20;
	v11 =	vld [tilespmem:s28+$0xFFFFFE70];
	v17 =	vsub.f32 v13, v9  }
0x222: {  	s0 =	sand.u32 $0x7FC000, s16;
	v19 =	vor.u32 v8, v19;
	s3 =	simm.s32 $0xC;
	s4 =	simm.s32 $0xB;
	v13 =	vld [tilespmem:s28+$0xFFFFFF70];
	[tilespmem:s26+$0x60] =	vst v63;
	v16 =	vsub.f32 v16, v4  }
.LBB2_5:
0x223: {  	p0 =	slt.u32 s3, $0x3C;
	v9 =	vor.u32 s4, v7;
	v20 =	vld [tilespmem:s28+$0x70];
	v12 =	vsub.f32 v12, v6;
	[tilespmem:s29+$0x1F0] =	vst v17;
	v6 =	vmov v2  }
0x224: {  	v9 =	vbroadcast v9, $0x0;
	v14 =	vsub.f32 v14, v5;
	[tilespmem:s29+$0xE0] =	vst v16;
	v5 =	vmov v0;
	v0 =	vld.idx.msk [tilespmem:v10+s13+$0x0], $0xffff  }
0x225: {  	v10 =	vsub.f32 v15, v3;
	[tilespmem:s29+$0xFFFFFFF0] =	vst v12;
	v12 =	vld [tilespmem:s30+$0xF0];
	s30 =	smov.u32 s28  }
0x226: {  	v2 =	vld.idx.msk [tilespmem:v18+s13+$0x0], $0xffff;
	v9 =	vor.u32 v8, v9;
	v11 =	vsub.f32 v11, v5;
	[tilespmem:s29+$0xFFFFFEF0] =	vst v14  }
0x227: {  	v14 =	vld.idx.msk [tilespmem:v19+s13+$0x0], $0xffff;
	v13 =	vsub.f32 v13, v6;
	[tilespmem:s26+$0x170] =	vst v10  }
0x228: {  	[tilespmem:s26+$0xFFFFFE70] =	vst v11;
	v10 =	vsub.f32 v20, v1;
	v11 =	vld [tilespmem:s28+$0x180]  }
0x229: {  	v15 =	vld [tilespmem:s28+$0xFFFFFE80];
	[tilespmem:s26+$0xFFFFFF70] =	vst v13  }
0x22a: {  	v13 =	vld [tilespmem:s28+$0xFFFFFF80];
	[tilespmem:s26+$0x70] =	vst v10;
	v10 =	vsub.f32 v12, v4;
	v4 =	vmov v1  }
0x22b: {  	s28 =	sadd.s32 $0x400, s28;
	v9 =	vld.idx.msk [tilespmem:v9+s13+$0x0], $0xffff  }
0x22c: {  	v12 =	vld [tilespmem:s28+$0x100];
	[tilespmem:s29+$0xF0] =	vst v10;
	s29 =	smov.u32 s26  }
0x22d: {  	v1 =	vmov v14;
	v10 =	vld [tilespmem:s28+$0xFFFFFE00];
	v11 =	vsub.f32 v11, v3  }
0x22e: {  	v14 =	vld [tilespmem:s28+$0xFFFFFF00];
	v15 =	vsub.f32 v15, v5  }
0x22f: {  	v16 =	vld [tilespmem:s28+$0x0];
	v13 =	vsub.f32 v13, v6;
	[tilespmem:s26+$0x180] =	vst v11  }
0x230: {  	[tilespmem:s26+$0xFFFFFE80] =	vst v15;
	v11 =	vld [tilespmem:s30+$0x190]  }
0x231: {  	v12 =	vsub.f32 v12, v9;
	[tilespmem:s26+$0xFFFFFF80] =	vst v13;
	v13 =	vld [tilespmem:s30+$0x80]  }
0x232: {  	s26 =	sadd.s32 $0x400, s26;
	v10 =	vsub.f32 v10, v0;
	v15 =	vld [tilespmem:s30+$0xFFFFFF90]  }
0x233: {  	v14 =	vsub.f32 v14, v2;
	[tilespmem:s26+$0x100] =	vst v12;
	v12 =	vld [tilespmem:s30+$0xFFFFFE90]  }
0x234: {  	[tilespmem:s26+$0xFFFFFE00] =	vst v10;
	v10 =	vsub.f32 v16, v1;
	v16 =	vld [tilespmem:s28+$0x110]  }
0x235: {  	v17 =	vld [tilespmem:s28+$0xFFFFFE10];
	[tilespmem:s26+$0xFFFFFF00] =	vst v14;
	v11 =	vsub.f32 v11, v3  }
0x236: {  	v14 =	vld [tilespmem:s28+$0xFFFFFF10];
	[tilespmem:s26+$0x0] =	vst v10;
	v10 =	vsub.f32 v13, v4  }
0x237: {  	v13 =	vld [tilespmem:s28+$0x10];
	v15 =	vsub.f32 v15, v6;
	[tilespmem:s29+$0x190] =	vst v11  }
0x238: {  	v11 =	vsub.f32 v12, v5;
	[tilespmem:s29+$0x80] =	vst v10;
	v10 =	vld [tilespmem:s30+$0x1A0]  }
0x239: {  	v12 =	vsub.f32 v16, v9;
	[tilespmem:s29+$0xFFFFFF90] =	vst v15;
	v15 =	vld [tilespmem:s30+$0x90]  }
0x23a: {  	v16 =	vsub.f32 v17, v0;
	[tilespmem:s29+$0xFFFFFE90] =	vst v11;
	v11 =	vld [tilespmem:s30+$0xFFFFFFA0]  }
0x23b: {  	v14 =	vsub.f32 v14, v2;
	[tilespmem:s26+$0x110] =	vst v12;
	v12 =	vld [tilespmem:s30+$0xFFFFFEA0]  }
0x23c: {  	[tilespmem:s26+$0xFFFFFE10] =	vst v16;
	v13 =	vsub.f32 v13, v1;
	v16 =	vld [tilespmem:s28+$0x120]  }
0x23d: {  	v17 =	vld [tilespmem:s28+$0xFFFFFE20];
	[tilespmem:s26+$0xFFFFFF10] =	vst v14;
	v10 =	vsub.f32 v10, v3  }
0x23e: {  	v14 =	vld [tilespmem:s28+$0xFFFFFF20];
	[tilespmem:s26+$0x10] =	vst v13;
	v13 =	vsub.f32 v15, v4  }
0x23f: {  	v15 =	vld [tilespmem:s28+$0x20];
	v11 =	vsub.f32 v11, v6;
	[tilespmem:s29+$0x1A0] =	vst v10  }
0x240: {  	v10 =	vsub.f32 v12, v5;
	[tilespmem:s29+$0x90] =	vst v13;
	v12 =	vld [tilespmem:s30+$0x1B0]  }
0x241: {  	v13 =	vsub.f32 v16, v9;
	[tilespmem:s29+$0xFFFFFFA0] =	vst v11;
	v11 =	vld [tilespmem:s30+$0xA0]  }
0x242: {  	v16 =	vsub.f32 v17, v0;
	[tilespmem:s29+$0xFFFFFEA0] =	vst v10;
	v10 =	vld [tilespmem:s30+$0xFFFFFFB0]  }
0x243: {  	v14 =	vsub.f32 v14, v2;
	[tilespmem:s26+$0x120] =	vst v13;
	v13 =	vld [tilespmem:s30+$0xFFFFFEB0]  }
0x244: {  	[tilespmem:s26+$0xFFFFFE20] =	vst v16;
	v15 =	vsub.f32 v15, v1;
	v16 =	vld [tilespmem:s28+$0x130]  }
0x245: {  	v17 =	vld [tilespmem:s28+$0xFFFFFE30];
	[tilespmem:s26+$0xFFFFFF20] =	vst v14;
	v12 =	vsub.f32 v12, v3  }
0x246: {  	v14 =	vld [tilespmem:s28+$0xFFFFFF30];
	[tilespmem:s26+$0x20] =	vst v15;
	v11 =	vsub.f32 v11, v4  }
0x247: {  	v15 =	vld [tilespmem:s28+$0x30];
	v10 =	vsub.f32 v10, v6;
	[tilespmem:s29+$0x1B0] =	vst v12  }
0x248: {  	v12 =	vsub.f32 v13, v5;
	[tilespmem:s29+$0xA0] =	vst v11;
	v11 =	vld [tilespmem:s30+$0x1C0]  }
0x249: {  	v13 =	vsub.f32 v16, v9;
	[tilespmem:s29+$0xFFFFFFB0] =	vst v10;
	v10 =	vld [tilespmem:s30+$0xB0]  }
0x24a: {  	v16 =	vsub.f32 v17, v0;
	[tilespmem:s29+$0xFFFFFEB0] =	vst v12;
	v12 =	vld [tilespmem:s30+$0xFFFFFFC0]  }
0x24b: {  	v14 =	vsub.f32 v14, v2;
	[tilespmem:s26+$0x130] =	vst v13;
	v13 =	vld [tilespmem:s30+$0xFFFFFEC0]  }
0x24c: {  	[tilespmem:s26+$0xFFFFFE30] =	vst v16;
	v15 =	vsub.f32 v15, v1;
	v16 =	vld [tilespmem:s28+$0x140]  }
0x24d: {  	v17 =	vld [tilespmem:s28+$0xFFFFFE40];
	[tilespmem:s26+$0xFFFFFF30] =	vst v14;
	v11 =	vsub.f32 v11, v3  }
0x24e: {  	v14 =	vld [tilespmem:s28+$0xFFFFFF40];
	[tilespmem:s26+$0x30] =	vst v15;
	v10 =	vsub.f32 v10, v4  }
0x24f: {  	v15 =	vld [tilespmem:s28+$0x40];
	v12 =	vsub.f32 v12, v6;
	[tilespmem:s29+$0x1C0] =	vst v11  }
0x250: {  	v11 =	vsub.f32 v13, v5;
	[tilespmem:s29+$0xB0] =	vst v10;
	v10 =	vld [tilespmem:s30+$0x1D0]  }
0x251: {  	v13 =	vsub.f32 v16, v9;
	[tilespmem:s29+$0xFFFFFFC0] =	vst v12;
	v12 =	vld [tilespmem:s30+$0xC0]  }
0x252: {  	v16 =	vsub.f32 v17, v0;
	[tilespmem:s29+$0xFFFFFEC0] =	vst v11;
	v11 =	vld [tilespmem:s30+$0xFFFFFFD0]  }
0x253: {  	v14 =	vsub.f32 v14, v2;
	[tilespmem:s26+$0x140] =	vst v13;
	v13 =	vld [tilespmem:s30+$0xFFFFFED0]  }
0x254: {  	[tilespmem:s26+$0xFFFFFE40] =	vst v16;
	v15 =	vsub.f32 v15, v1;
	v16 =	vld [tilespmem:s28+$0x150]  }
0x255: {  	v17 =	vld [tilespmem:s28+$0xFFFFFE50];
	[tilespmem:s26+$0xFFFFFF40] =	vst v14;
	v10 =	vsub.f32 v10, v3  }
0x256: {  	v14 =	vld [tilespmem:s28+$0xFFFFFF50];
	[tilespmem:s26+$0x40] =	vst v15;
	v12 =	vsub.f32 v12, v4  }
0x257: {  	v15 =	vld [tilespmem:s28+$0x50];
	v11 =	vsub.f32 v11, v6;
	[tilespmem:s29+$0x1D0] =	vst v10  }
0x258: {  	v10 =	vsub.f32 v13, v5;
	[tilespmem:s29+$0xC0] =	vst v12;
	v12 =	vld [tilespmem:s30+$0x1E0]  }
0x259: {  	v13 =	vsub.f32 v16, v9;
	[tilespmem:s29+$0xFFFFFFD0] =	vst v11;
	v11 =	vld [tilespmem:s30+$0xD0]  }
0x25a: {  	v16 =	vsub.f32 v17, v0;
	[tilespmem:s29+$0xFFFFFED0] =	vst v10;
	v10 =	vld [tilespmem:s30+$0xFFFFFFE0]  }
0x25b: {  	v14 =	vsub.f32 v14, v2;
	[tilespmem:s26+$0x150] =	vst v13;
	v13 =	vld [tilespmem:s30+$0xFFFFFEE0]  }
0x25c: {  	[tilespmem:s26+$0xFFFFFE50] =	vst v16;
	v15 =	vsub.f32 v15, v1;
	v16 =	vld [tilespmem:s28+$0x160]  }
0x25d: {  	v17 =	vld [tilespmem:s28+$0xFFFFFE60];
	[tilespmem:s26+$0xFFFFFF50] =	vst v14;
	v12 =	vsub.f32 v12, v3  }
0x25e: {  	v14 =	vld [tilespmem:s28+$0xFFFFFF60];
	[tilespmem:s26+$0x50] =	vst v15;
	v11 =	vsub.f32 v11, v4  }
0x25f: {  	v15 =	vld [tilespmem:s28+$0x60];
	v10 =	vsub.f32 v10, v6;
	[tilespmem:s29+$0x1E0] =	vst v12  }
0x260: {  	v12 =	vor.u32 s3, v7;
	v13 =	vsub.f32 v13, v5;
	[tilespmem:s29+$0xD0] =	vst v11;
	v19 =	vld [tilespmem:s30+$0x1F0]  }
0x261: {  	s4 =	sadd.s32 $0x1, s3;
	s8 =	sadd.s32 $0x2, s3;
	v11 =	vbroadcast v12, $0x0;
	v16 =	vsub.f32 v16, v9;
	[tilespmem:s29+$0xFFFFFFE0] =	vst v10;
	v20 =	vld [tilespmem:s30+$0xE0]  }
.Ltmp3:
0x262: {  	v21 =	vor.u32 s8, v7;
	v18 =	vor.u32 s4, v7;
	v17 =	vsub.f32 v17, v0;
	[tilespmem:s29+$0xFFFFFEE0] =	vst v13;
	v12 =	vld [tilespmem:s30+$0xFFFFFFF0];
	(pc) =	sbr.rel @p0 .LBB2_5-.Ltmp3, $4  }
0x263: {  	v10 =	vor.u32 v8, v11;
	v11 =	vbroadcast v18, $0x0;
	v13 =	vsub.f32 v14, v2;
	[tilespmem:s26+$0x160] =	vst v16;
	v14 =	vld [tilespmem:s30+$0xFFFFFEF0]  }
0x264: {  	v16 =	vbroadcast v21, $0x0;
	[tilespmem:s26+$0xFFFFFE60] =	vst v17;
	v21 =	vsub.f32 v15, v1;
	v15 =	vld [tilespmem:s28+$0x170]  }
0x265: {  	v18 =	vor.u32 v8, v11;
	v11 =	vld [tilespmem:s28+$0xFFFFFE70];
	[tilespmem:s26+$0xFFFFFF60] =	vst v13;
	v17 =	vsub.f32 v19, v3;
	v3 =	vmov v9  }
0x266: {  	s4 =	sadd.s32 $0x3, s3;
	s3 =	sadd.s32 $0x4, s3;
	v19 =	vor.u32 v8, v16;
	v13 =	vld [tilespmem:s28+$0xFFFFFF70];
	[tilespmem:s26+$0x60] =	vst v21;
	v16 =	vsub.f32 v20, v4  }
0x267: {  	_ =	sdelay $0x2  }
0x268: {  	v7 =	vor.u32 s4, v7  }
0x269: {  	v9 =	vld.idx.msk [tilespmem:v18+s13+$0x0], $0xffff;
	s16 =	sadd.s32 $0x400, s28;
	v7 =	vbroadcast v7, $0x0  }
0x26a: {  	v26 =	vld [tilespmem:s16+$0x100]  }
0x26b: {  	v27 =	vld [tilespmem:s16+$0xFFFFFF00];
	v20 =	vor.u32 v8, v7  }
0x26c: {  	v28 =	vld [tilespmem:s16+$0xFFFFFE00]  }
0x26d: {  	v21 =	vld [tilespmem:s16+$0x0]  }
0x26e: {  	v7 =	vld.idx.msk [tilespmem:v10+s13+$0x0], $0xffff  }
0x26f: {  	v8 =	vld.idx.msk [tilespmem:v19+s13+$0x0], $0xffff  }
0x270: {  	v10 =	vld.idx.msk [tilespmem:v20+s13+$0x0], $0xffff;
	_ =	sdelay $0x1  }
0x271: {  	v19 =	vsub.f32 v27, v9  }
0x272: {  	s3 =	sadd.s32 $0x400, s26;
	v20 =	vsub.f32 v28, v7  }
0x273: {  	v29 =	vsub.f32 v21, v8;
	[tilespmem:s3+$0xFFFFFF00] =	vst v19  }
0x274: {  	v19 =	vld [tilespmem:s16+$0xFFFFFF10];
	[tilespmem:s3+$0xFFFFFE00] =	vst v20;
	v18 =	vsub.f32 v26, v10  }
0x275: {  	[tilespmem:s3+$0x0] =	vst v29;
	v20 =	vld [tilespmem:s16+$0xFFFFFE10]  }
0x276: {  	[tilespmem:s3+$0x100] =	vst v18;
	v18 =	vld [tilespmem:s16+$0x10]  }
0x277: {  	v30 =	vld [tilespmem:s16+$0x110];
	_ =	sdelay $0x1  }
0x278: {  	v19 =	vsub.f32 v19, v9  }
0x279: {  	v20 =	vsub.f32 v20, v7  }
0x27a: {  	[tilespmem:s3+$0xFFFFFF10] =	vst v19;
	v18 =	vsub.f32 v18, v8  }
0x27b: {  	v19 =	vld [tilespmem:s16+$0xFFFFFF20];
	[tilespmem:s3+$0xFFFFFE10] =	vst v20;
	v21 =	vsub.f32 v30, v10  }
0x27c: {  	v20 =	vld [tilespmem:s16+$0xFFFFFE20];
	[tilespmem:s3+$0x10] =	vst v18  }
0x27d: {  	[tilespmem:s3+$0x110] =	vst v21;
	v18 =	vld [tilespmem:s16+$0x20]  }
0x27e: {  	v21 =	vld [tilespmem:s16+$0x120];
	_ =	sdelay $0x1  }
0x27f: {  	v19 =	vsub.f32 v19, v9  }
0x280: {  	v20 =	vsub.f32 v20, v7  }
0x281: {  	[tilespmem:s3+$0xFFFFFF20] =	vst v19;
	v18 =	vsub.f32 v18, v8  }
0x282: {  	v19 =	vld [tilespmem:s16+$0xFFFFFF30];
	[tilespmem:s3+$0xFFFFFE20] =	vst v20;
	v21 =	vsub.f32 v21, v10  }
0x283: {  	v20 =	vld [tilespmem:s16+$0xFFFFFE30];
	[tilespmem:s3+$0x20] =	vst v18  }
0x284: {  	[tilespmem:s3+$0x120] =	vst v21;
	v18 =	vld [tilespmem:s16+$0x30]  }
0x285: {  	v21 =	vld [tilespmem:s16+$0x130];
	_ =	sdelay $0x1  }
0x286: {  	v19 =	vsub.f32 v19, v9  }
0x287: {  	v20 =	vsub.f32 v20, v7  }
0x288: {  	[tilespmem:s3+$0xFFFFFF30] =	vst v19;
	v18 =	vsub.f32 v18, v8  }
0x289: {  	v19 =	vld [tilespmem:s16+$0xFFFFFF40];
	[tilespmem:s3+$0xFFFFFE30] =	vst v20;
	v21 =	vsub.f32 v21, v10  }
0x28a: {  	v20 =	vld [tilespmem:s16+$0xFFFFFE40];
	[tilespmem:s3+$0x30] =	vst v18  }
0x28b: {  	[tilespmem:s3+$0x130] =	vst v21;
	v18 =	vld [tilespmem:s16+$0x40]  }
0x28c: {  	v21 =	vld [tilespmem:s16+$0x140];
	_ =	sdelay $0x1  }
0x28d: {  	v19 =	vsub.f32 v19, v9  }
0x28e: {  	v20 =	vsub.f32 v20, v7  }
0x28f: {  	[tilespmem:s3+$0xFFFFFF40] =	vst v19;
	v18 =	vsub.f32 v18, v8  }
0x290: {  	v19 =	vld [tilespmem:s16+$0xFFFFFF50];
	[tilespmem:s3+$0xFFFFFE40] =	vst v20;
	v21 =	vsub.f32 v21, v10  }
0x291: {  	v20 =	vld [tilespmem:s16+$0xFFFFFE50];
	[tilespmem:s3+$0x40] =	vst v18  }
0x292: {  	[tilespmem:s3+$0x140] =	vst v21;
	v18 =	vld [tilespmem:s16+$0x50]  }
0x293: {  	v21 =	vld [tilespmem:s16+$0x150];
	_ =	sdelay $0x1  }
0x294: {  	v31 =	vsub.f32 v19, v9  }
0x295: {  	[tilespmem:s29+$0x1F0] =	vst v17;
	v32 =	vsub.f32 v20, v7  }
0x296: {  	[tilespmem:s3+$0xFFFFFF50] =	vst v31;
	v18 =	vsub.f32 v18, v8  }
0x297: {  	v34 =	vld [tilespmem:s16+$0xFFFFFF60];
	[tilespmem:s3+$0xFFFFFE50] =	vst v32;
	v21 =	vsub.f32 v21, v10  }
0x298: {  	v35 =	vld [tilespmem:s16+$0xFFFFFE60];
	[tilespmem:s3+$0x50] =	vst v18  }
0x299: {  	v6 =	vsub.f32 v12, v6;
	[tilespmem:s3+$0x150] =	vst v21;
	v36 =	vld [tilespmem:s16+$0x60]  }
0x29a: {  	v5 =	vsub.f32 v14, v5;
	[tilespmem:s29+$0xE0] =	vst v16;
	v33 =	vld [tilespmem:s16+$0x160]  }
0x29b: {  	v15 =	vsub.f32 v15, v3;
	[tilespmem:s29+$0xFFFFFFF0] =	vst v6  }
0x29c: {  	[tilespmem:s29+$0xFFFFFEF0] =	vst v5;
	v39 =	vsub.f32 v34, v9  }
0x29d: {  	v38 =	vld [tilespmem:s28+$0x70];
	[tilespmem:s26+$0x170] =	vst v15;
	v12 =	vsub.f32 v35, v7  }
0x29e: {  	v16 =	vld [tilespmem:s30+$0xF0];
	[tilespmem:s3+$0xFFFFFF60] =	vst v39;
	v40 =	vsub.f32 v36, v8  }
0x29f: {  	v42 =	vld [tilespmem:s16+$0xFFFFFF70];
	[tilespmem:s3+$0xFFFFFE60] =	vst v12;
	v37 =	vsub.f32 v33, v10  }
0x2a0: {  	v11 =	vsub.f32 v11, v0;
	v43 =	vld [tilespmem:s16+$0xFFFFFE70];
	[tilespmem:s3+$0x60] =	vst v40  }
0x2a1: {  	v13 =	vsub.f32 v13, v2;
	[tilespmem:s3+$0x160] =	vst v37;
	v45 =	vld [tilespmem:s16+$0x70]  }
0x2a2: {  	[tilespmem:s26+$0xFFFFFE70] =	vst v11;
	v44 =	vsub.f32 v38, v1;
	v41 =	vld [tilespmem:s16+$0x170]  }
0x2a3: {  	v46 =	vld [tilespmem:s28+$0x180];
	[tilespmem:s26+$0xFFFFFF70] =	vst v13;
	v4 =	vsub.f32 v16, v4  }
0x2a4: {  	v48 =	vld [tilespmem:s28+$0xFFFFFE80];
	[tilespmem:s26+$0x70] =	vst v44;
	v49 =	vsub.f32 v42, v9  }
0x2a5: {  	v50 =	vld [tilespmem:s28+$0x80];
	[tilespmem:s29+$0xF0] =	vst v4;
	v15 =	vsub.f32 v43, v7  }
0x2a6: {  	v13 =	vld [tilespmem:s28+$0xFFFFFF80];
	[tilespmem:s3+$0xFFFFFF70] =	vst v49;
	v51 =	vsub.f32 v45, v8  }
0x2a7: {  	v54 =	vld [tilespmem:s16+$0xFFFFFF80];
	[tilespmem:s3+$0xFFFFFE70] =	vst v15;
	v47 =	vsub.f32 v41, v10  }
0x2a8: {  	v53 =	vsub.f32 v46, v3;
	v15 =	vld [tilespmem:s16+$0xFFFFFE80];
	[tilespmem:s3+$0x70] =	vst v51  }
0x2a9: {  	v55 =	vsub.f32 v48, v0;
	[tilespmem:s3+$0x170] =	vst v47;
	v56 =	vld [tilespmem:s16+$0x80]  }
0x2aa: {  	[tilespmem:s26+$0x180] =	vst v53;
	v12 =	vsub.f32 v50, v1;
	v52 =	vld [tilespmem:s16+$0x180]  }
0x2ab: {  	v13 =	vsub.f32 v13, v2;
	v57 =	vld [tilespmem:s28+$0x190];
	[tilespmem:s26+$0xFFFFFE80] =	vst v55  }
0x2ac: {  	v59 =	vld [tilespmem:s28+$0xFFFFFE90];
	[tilespmem:s26+$0x80] =	vst v12;
	v11 =	vsub.f32 v54, v9  }
0x2ad: {  	[tilespmem:s26+$0xFFFFFF80] =	vst v13;
	v12 =	vld [tilespmem:s28+$0x90];
	v15 =	vsub.f32 v15, v7  }
0x2ae: {  	v58 =	vld [tilespmem:s28+$0xFFFFFF90];
	[tilespmem:s3+$0xFFFFFF80] =	vst v11;
	v4 =	vsub.f32 v56, v8  }
0x2af: {  	v61 =	vld [tilespmem:s16+$0xFFFFFF90];
	[tilespmem:s3+$0xFFFFFE80] =	vst v15;
	v6 =	vsub.f32 v52, v10  }
0x2b0: {  	v60 =	vsub.f32 v57, v3;
	v15 =	vld [tilespmem:s16+$0xFFFFFE90];
	[tilespmem:s3+$0x80] =	vst v4  }
0x2b1: {  	v62 =	vsub.f32 v59, v0;
	[tilespmem:s3+$0x180] =	vst v6;
	v63 =	vld [tilespmem:s16+$0x90]  }
0x2b2: {  	[tilespmem:s26+$0x190] =	vst v60;
	v19 =	vsub.f32 v12, v1;
	v6 =	vld [tilespmem:s16+$0x190]  }
0x2b3: {  	v5 =	vsub.f32 v58, v2;
	[tilespmem:s26+$0xFFFFFE90] =	vst v62;
	v18 =	vld [tilespmem:s28+$0x1A0]  }
0x2b4: {  	v21 =	vld [tilespmem:s28+$0xFFFFFEA0];
	[tilespmem:s26+$0x90] =	vst v19;
	v22 =	vsub.f32 v61, v9  }
0x2b5: {  	[tilespmem:s26+$0xFFFFFF90] =	vst v5;
	v23 =	vld [tilespmem:s28+$0xA0];
	v24 =	vsub.f32 v15, v7  }
0x2b6: {  	v20 =	vld [tilespmem:s28+$0xFFFFFFA0];
	[tilespmem:s3+$0xFFFFFF90] =	vst v22;
	v26 =	vsub.f32 v63, v8  }
0x2b7: {  	v28 =	vld [tilespmem:s16+$0xFFFFFFA0];
	[tilespmem:s3+$0xFFFFFE90] =	vst v24;
	v6 =	vsub.f32 v6, v10  }
0x2b8: {  	v27 =	vsub.f32 v18, v3;
	v29 =	vld [tilespmem:s16+$0xFFFFFEA0];
	[tilespmem:s3+$0x90] =	vst v26  }
0x2b9: {  	v30 =	vsub.f32 v21, v0;
	[tilespmem:s3+$0x190] =	vst v6;
	v31 =	vld [tilespmem:s16+$0xA0]  }
0x2ba: {  	[tilespmem:s26+$0x1A0] =	vst v27;
	v33 =	vsub.f32 v23, v1;
	v25 =	vld [tilespmem:s16+$0x1A0]  }
0x2bb: {  	v32 =	vld [tilespmem:s28+$0x1B0];
	[tilespmem:s26+$0xFFFFFEA0] =	vst v30;
	v4 =	vsub.f32 v20, v2  }
0x2bc: {  	v36 =	vld [tilespmem:s28+$0xFFFFFEB0];
	[tilespmem:s26+$0xA0] =	vst v33;
	v37 =	vsub.f32 v28, v9  }
0x2bd: {  	v38 =	vld [tilespmem:s28+$0xB0];
	[tilespmem:s26+$0xFFFFFFA0] =	vst v4;
	v13 =	vsub.f32 v29, v7  }
0x2be: {  	v34 =	vld [tilespmem:s28+$0xFFFFFFB0];
	[tilespmem:s3+$0xFFFFFFA0] =	vst v37;
	v39 =	vsub.f32 v31, v8  }
0x2bf: {  	v41 =	vld [tilespmem:s16+$0xFFFFFFB0];
	[tilespmem:s3+$0xFFFFFEA0] =	vst v13;
	v35 =	vsub.f32 v25, v10  }
0x2c0: {  	v40 =	vsub.f32 v32, v3;
	v13 =	vld [tilespmem:s16+$0xFFFFFEB0];
	[tilespmem:s3+$0xA0] =	vst v39  }
0x2c1: {  	v42 =	vsub.f32 v36, v0;
	[tilespmem:s3+$0x1A0] =	vst v35;
	v43 =	vld [tilespmem:s16+$0xB0]  }
0x2c2: {  	[tilespmem:s26+$0x1B0] =	vst v40;
	v45 =	vsub.f32 v38, v1;
	v14 =	vld [tilespmem:s16+$0x1B0]  }
0x2c3: {  	v44 =	vld [tilespmem:s28+$0x1C0];
	[tilespmem:s26+$0xFFFFFEB0] =	vst v42;
	v5 =	vsub.f32 v34, v2  }
0x2c4: {  	v48 =	vld [tilespmem:s28+$0xFFFFFEC0];
	[tilespmem:s26+$0xB0] =	vst v45;
	v49 =	vsub.f32 v41, v9  }
0x2c5: {  	v50 =	vld [tilespmem:s28+$0xC0];
	[tilespmem:s26+$0xFFFFFFB0] =	vst v5;
	v51 =	vsub.f32 v13, v7  }
0x2c6: {  	v46 =	vld [tilespmem:s28+$0xFFFFFFC0];
	[tilespmem:s3+$0xFFFFFFB0] =	vst v49;
	v53 =	vsub.f32 v43, v8  }
0x2c7: {  	v55 =	vld [tilespmem:s16+$0xFFFFFFC0];
	[tilespmem:s3+$0xFFFFFEB0] =	vst v51;
	v47 =	vsub.f32 v14, v10  }
0x2c8: {  	v54 =	vsub.f32 v44, v3;
	v56 =	vld [tilespmem:s16+$0xFFFFFEC0];
	[tilespmem:s3+$0xB0] =	vst v53  }
0x2c9: {  	v57 =	vsub.f32 v48, v0;
	[tilespmem:s3+$0x1B0] =	vst v47;
	v58 =	vld [tilespmem:s16+$0xC0]  }
0x2ca: {  	[tilespmem:s26+$0x1C0] =	vst v54;
	v60 =	vsub.f32 v50, v1;
	v52 =	vld [tilespmem:s16+$0x1C0]  }
0x2cb: {  	v59 =	vld [tilespmem:s28+$0x1D0];
	[tilespmem:s26+$0xFFFFFEC0] =	vst v57;
	v4 =	vsub.f32 v46, v2  }
0x2cc: {  	v63 =	vld [tilespmem:s28+$0xFFFFFED0];
	[tilespmem:s26+$0xC0] =	vst v60;
	v18 =	vsub.f32 v55, v9  }
0x2cd: {  	v19 =	vld [tilespmem:s28+$0xD0];
	[tilespmem:s26+$0xFFFFFFC0] =	vst v4;
	v20 =	vsub.f32 v56, v7  }
0x2ce: {  	v61 =	vld [tilespmem:s28+$0xFFFFFFD0];
	[tilespmem:s3+$0xFFFFFFC0] =	vst v18;
	v22 =	vsub.f32 v58, v8  }
0x2cf: {  	v24 =	vld [tilespmem:s16+$0xFFFFFFD0];
	[tilespmem:s3+$0xFFFFFEC0] =	vst v20;
	v62 =	vsub.f32 v52, v10  }
0x2d0: {  	v23 =	vsub.f32 v59, v3;
	v25 =	vld [tilespmem:s16+$0xFFFFFED0];
	[tilespmem:s3+$0xC0] =	vst v22  }
0x2d1: {  	v26 =	vsub.f32 v63, v0;
	[tilespmem:s3+$0x1C0] =	vst v62;
	v27 =	vld [tilespmem:s16+$0xD0]  }
0x2d2: {  	[tilespmem:s26+$0x1D0] =	vst v23;
	v29 =	vsub.f32 v19, v1;
	v21 =	vld [tilespmem:s16+$0x1D0]  }
0x2d3: {  	v28 =	vld [tilespmem:s28+$0x1E0];
	[tilespmem:s26+$0xFFFFFED0] =	vst v26;
	v5 =	vsub.f32 v61, v2  }
0x2d4: {  	v32 =	vld [tilespmem:s28+$0xFFFFFEE0];
	[tilespmem:s26+$0xD0] =	vst v29;
	v33 =	vsub.f32 v24, v9  }
0x2d5: {  	v34 =	vld [tilespmem:s28+$0xE0];
	[tilespmem:s26+$0xFFFFFFD0] =	vst v5;
	v35 =	vsub.f32 v25, v7  }
0x2d6: {  	v30 =	vld [tilespmem:s28+$0xFFFFFFE0];
	[tilespmem:s3+$0xFFFFFFD0] =	vst v33;
	v37 =	vsub.f32 v27, v8  }
0x2d7: {  	v39 =	vld [tilespmem:s16+$0xFFFFFFE0];
	[tilespmem:s3+$0xFFFFFED0] =	vst v35;
	v31 =	vsub.f32 v21, v10  }
0x2d8: {  	v38 =	vsub.f32 v28, v3;
	v40 =	vld [tilespmem:s16+$0xFFFFFEE0];
	[tilespmem:s3+$0xD0] =	vst v37  }
0x2d9: {  	v41 =	vsub.f32 v32, v0;
	[tilespmem:s3+$0x1D0] =	vst v31;
	v42 =	vld [tilespmem:s16+$0xE0]  }
0x2da: {  	[tilespmem:s26+$0x1E0] =	vst v38;
	v44 =	vsub.f32 v34, v1;
	v36 =	vld [tilespmem:s16+$0x1E0]  }
0x2db: {  	[tilespmem:s26+$0xFFFFFEE0] =	vst v41;
	v43 =	vld [tilespmem:s28+$0x1F0];
	v4 =	vsub.f32 v30, v2  }
0x2dc: {  	v47 =	vld [tilespmem:s28+$0xFFFFFEF0];
	[tilespmem:s26+$0xE0] =	vst v44;
	v48 =	vsub.f32 v39, v9  }
0x2dd: {  	v49 =	vld [tilespmem:s28+$0xF0];
	[tilespmem:s26+$0xFFFFFFE0] =	vst v4;
	v50 =	vsub.f32 v40, v7  }
0x2de: {  	v45 =	vld [tilespmem:s28+$0xFFFFFFF0];
	[tilespmem:s3+$0xFFFFFFE0] =	vst v48;
	v52 =	vsub.f32 v42, v8  }
0x2df: {  	v54 =	vld [tilespmem:s16+$0xFFFFFFF0];
	[tilespmem:s3+$0xFFFFFEE0] =	vst v50;
	v46 =	vsub.f32 v36, v10  }
0x2e0: {  	v53 =	vsub.f32 v43, v3;
	v56 =	vld [tilespmem:s16+$0xFFFFFEF0];
	[tilespmem:s3+$0xE0] =	vst v52  }
0x2e1: {  	v57 =	vsub.f32 v47, v0;
	[tilespmem:s3+$0x1E0] =	vst v46;
	v58 =	vld [tilespmem:s16+$0xF0]  }
0x2e2: {  	[tilespmem:s26+$0x1F0] =	vst v53;
	v59 =	vsub.f32 v49, v1;
	v51 =	vld [tilespmem:s16+$0x1F0]  }
0x2e3: {  	[tilespmem:s26+$0xFFFFFEF0] =	vst v57;
	v55 =	vsub.f32 v45, v2  }
0x2e4: {  	[tilespmem:s26+$0xF0] =	vst v59;
	v61 =	vsub.f32 v54, v9  }
0x2e5: {  	[tilespmem:s26+$0xFFFFFFF0] =	vst v55;
	v62 =	vsub.f32 v56, v7  }
.Ltmp4:
0x2e6: {  	[tilespmem:s3+$0xFFFFFFF0] =	vst v61;
	v63 =	vsub.f32 v58, v8;
	(pc) =	sbr.rel @p1 .LBB2_8-.Ltmp4, $4  }
0x2e7: {  	[tilespmem:s3+$0xFFFFFEF0] =	vst v62;
	v60 =	vsub.f32 v51, v10  }
0x2e8: {  	s1 =	sadd.s32 s6, s1;
	[tilespmem:s3+$0xF0] =	vst v63  }
0x2e9: {  	s0 =	sadd.s32 s0, s1;
	[tilespmem:s3+$0x1F0] =	vst v60  }
0x2ea: {  	[hbm4b:s0+s12] =	stream.strided.scatter [tilespmem:s21], [sflag:$0x4], $0x4000, s15, s12, $0x38;
	[tilespmem:$0x14100] =	vst v63  }
0x2eb: {  	s0 =	sadd.s32 $0x2, s31  }
.Ltmp5:
0x2ec: {  	s1 =	sshll.u32 s0, $0x4;
	(pc) =	sbr.rel .LBB2_2-.Ltmp5, $4  }
0x2ed: {  	s0 =	sshll.u32 s0, $0xB;
	s1 =	sand.u32 $0x70, s1  }
0x2ee: {  	s0 =	sand.u32 $0xFFFC000, s0;
	s1 =	sadd.s32 s2, s1  }
0x2ef: {  	s25 =	sadd.s32 $0x1, s25;
	s0 =	sadd.s32 s0, s1  }
0x2f0: {  	[tilespmem:s17], [sflag:$0x2] =	stream.strided.gather [hbm4b:s0+s12], $0x4000, s15, s12, $0x38;
	[tilespmem:$0x14100] =	vst v63  }
.LBB2_9:
0x2f1: {  	_ =	sfence.sel $0x180000  }
0x2f2: {  	[bflag:$0x0] =	sbarrier.arrive $0xFFFF  }
0x2f3: {  	_ =	strace $0x90000047  }
0x2f4: {  	s0 =	stileid.u32;
	[bflag:$0x2] =	sbarrier.arrive $0xFFFF  }
0x2f5: {  	p0 =	sne.s32 s0, $0x0;
	s0 =	rddreg [dreg:$0x3]  }
0x2f6: {  	s0 =	sadd.s32 @!p0 $0x100000, s0  }
0x2f7: {  	[sflag:s0] =	ssyncadd.tile.s32 @!p0 $0x1;
	_ =	shalt  }
.Lfunc_end2:
_tile_overlayer_lowered:
.L_overlay_start_2:
0x2f8: {  	(tag) =	ssettag $0x2  }
0x2f9: {  	s0 =	rddreg [dreg:$0x0];
	s2 =	stileid.u32  }
0x2fa: {  	s1 =	rddreg [dreg:$0x1];
	p0 =	sne.s32 s2, $0x0  }
0x2fb: {  	s3 =	rddreg [dreg:$0x2];
	[bflag:$0x3] =	sbarrier.arrive $0xFFFF;
	s2 =	simm.s32 @!p0 $0x1C06  }
0x2fc: {  	[timem:s3], [sflag:s2] =	dma.local @!p0 [hbm:s0], s1  }
0x2fd: {  	s0 =	simm.s32 @!p0 $0x6  }
0x2fe: {  	_ =	swait.ge @!p0 [sflag:s0], s1  }
0x2ff: {  	s1 =	ssub.s32 @!p0 $0x0, s1;
	[sflag:s0] =	ssyncset.done @!p0 $0x0  }
0x300: {  	[sflag:s0] =	ssyncadd.s32 @!p0 s1  }
0x301: {  	[bflag:$0x3] =	sbarrier.arrive $0xFFFF  }
0x302: {  	_ =	shalt  }

</sc_bundles>
